<compile_context>
chip_gen: v7x
topology: tpu7x:2x2x1
jax: 0.10.2.dev20260603
libtpu: 0.0.44.dev20260713+nightly
codegen_flags: <defaults>
</compile_context>

<pallas_src>
import functools

import jax
import jax.numpy as jnp
from jax import lax
from jax.experimental import pallas as pl
from jax.experimental.pallas import tpu as pltpu
from jax.experimental.pallas import tpu_sc as plsc

N = 10000
NPAD = 10240
D = 128
NC, NS = 2, 16
NW = NC * NS
CH = 128
EK = 1024
CPT = 8
BR = 1024

_MESH = plsc.VectorSubcoreMesh(core_axis_name="c", subcore_axis_name="s")
_SC_PARAMS = pltpu.CompilerParams(
    use_tc_tiling_on_sc=False, needs_layout_passes=False)


def _zero_vmem_2d(ref, rows, cols):
    zc = cols // 16

    def body(i, _):
        r = i // zc
        k = i % zc
        ref[r, pl.ds(k * 16, 16)] = jnp.zeros((16,), jnp.float32)
        return 0

    lax.fori_loop(0, rows * zc, body, 0)


def _make_deg_kernel(ept):
    n_chunks = ept // CH
    grp = 16

    @functools.partial(
        pl.kernel,
        out_type=jax.ShapeDtypeStruct((NC * NPAD,), jnp.float32),
        mesh=_MESH,
        compiler_params=_SC_PARAMS,
        scratch_types=[
            pltpu.VMEM((n_chunks, CH), jnp.int32),
            pltpu.VMEM((CH,), jnp.float32),
            pltpu.VMEM((NPAD // NS,), jnp.float32),
            pltpu.VMEM_SHARED((NPAD,), jnp.float32),
            pltpu.SemaphoreType.DMA,
            pltpu.SemaphoreType.DMA,
        ],
    )
    def deg_kernel(dst_hbm, deg_hbm, idx_v, ones_v, stage_v, acc_sh,
                   sem_i, sem_s):
        c = lax.axis_index("c")
        s = lax.axis_index("s")
        wid = c * NS + s
        seg = NPAD // NS

        idx_dma = pltpu.async_copy(
            dst_hbm.at[pl.ds(wid * n_chunks, n_chunks)], idx_v, sem_i)

        def zbody(i, _):
            stage_v[pl.ds(i * 16, 16)] = jnp.zeros((16,), jnp.float32)
            return 0

        lax.fori_loop(0, seg // 16, zbody, 0)

        def obody(i, _):
            ones_v[pl.ds(i * 16, 16)] = jnp.ones((16,), jnp.float32)
            return 0

        lax.fori_loop(0, CH // 16, obody, 0)

        pltpu.sync_copy(stage_v, acc_sh.at[pl.ds(s * seg, seg)])
        plsc.subcore_barrier()
        idx_dma.wait()

        def group(g, _):
            def fire(j, _):
                pltpu.async_copy(
                    ones_v, acc_sh.at[idx_v.at[g * grp + j]], sem_s, add=True)
                return 0

            lax.fori_loop(0, grp, fire, 0)

            def drain(j, _):
                pltpu.make_async_copy(
                    ones_v, acc_sh.at[idx_v.at[0]], sem_s).wait()
                return 0

            lax.fori_loop(0, grp, drain, 0)
            return 0

        lax.fori_loop(0, n_chunks // grp, group, 0)
        plsc.subcore_barrier()

        pltpu.sync_copy(acc_sh.at[pl.ds(s * seg, seg)], stage_v)
        pltpu.sync_copy(stage_v, deg_hbm.at[pl.ds(c * NPAD + s * seg, seg)])

    return deg_kernel


def _make_colagg_kernel(epad):
    eps = epad // NC
    n_ck = eps // EK
    CP2 = CPT // 2

    @functools.partial(
        pl.kernel,
        out_type=jax.ShapeDtypeStruct((NC * D, NPAD), jnp.float32),
        mesh=_MESH,
        compiler_params=_SC_PARAMS,
        scratch_types=[
            pltpu.VMEM((CP2, NPAD), jnp.int32),
            pltpu.VMEM((CPT, NPAD), jnp.float32),
            pltpu.VMEM((EK,), jnp.int32),
            pltpu.VMEM((EK,), jnp.int32),
            pltpu.SemaphoreType.DMA,
            pltpu.SemaphoreType.DMA,
            pltpu.SemaphoreType.DMA,
        ],
    )
    def colagg_kernel(pk_hbm, hsP_hbm, accT_hbm,
                      tbl, acc, e0, e1, sem_t, sem0, sem1):
        c = lax.axis_index("c")
        s = lax.axis_index("s")
        ebase = c * eps

        def compute(buf):
            @plsc.parallel_loop(0, EK // 16, 1, unroll=4)
            def grp(g):
                ev = buf[pl.ds(g * 16, 16)]
                sv = ev & 0x3FFF
                dv = lax.shift_right_logical(ev, 14)
                for j in range(CP2):
                    jj = jnp.full((16,), j, jnp.int32)
                    vp = plsc.load_gather(tbl, [jj, sv])
                    lo = plsc.bitcast(lax.shift_left(vp, 16), jnp.float32)
                    hi = plsc.bitcast(vp & jnp.int32(-65536), jnp.float32)
                    j1 = jnp.full((16,), CP2 + j, jnp.int32)
                    plsc.addupdate_scatter(acc, [jj, dv], lo)
                    plsc.addupdate_scatter(acc, [j1, dv], hi)

        tdma = pltpu.async_copy(
            hsP_hbm.at[pl.ds(s * CP2, CP2)], tbl, sem_t)
        _zero_vmem_2d(acc, CPT, NPAD)
        tdma.wait()

        pltpu.async_copy(pk_hbm.at[pl.ds(ebase, EK)], e0, sem0)

        def pair(i, _):
            c0 = 2 * i
            pltpu.async_copy(
                pk_hbm.at[pl.ds(ebase + (c0 + 1) * EK, EK)], e1, sem1)
            pltpu.make_async_copy(
                pk_hbm.at[pl.ds(0, EK)], e0, sem0).wait()
            compute(e0)

            @pl.when(i < n_ck // 2 - 1)
            def _():
                pltpu.async_copy(
                    pk_hbm.at[pl.ds(ebase + (c0 + 2) * EK, EK)], e0, sem0)

            pltpu.make_async_copy(
                pk_hbm.at[pl.ds(0, EK)], e1, sem1).wait()
            compute(e1)
            return 0

        lax.fori_loop(0, n_ck // 2, pair, 0)

        pltpu.sync_copy(
            acc.at[pl.ds(0, CP2)], accT_hbm.at[pl.ds(c * D + s * CP2, CP2)])
        pltpu.sync_copy(
            acc.at[pl.ds(CP2, CP2)],
            accT_hbm.at[pl.ds(c * D + D // 2 + s * CP2, CP2)])

    return colagg_kernel


def _make_colagg2_kernel(epad):
    eq = epad // 4
    n_ck = eq // EK

    @functools.partial(
        pl.kernel,
        out_type=jax.ShapeDtypeStruct((4 * 8, NPAD), jnp.float32),
        mesh=_MESH,
        compiler_params=_SC_PARAMS,
        scratch_types=[
            pltpu.VMEM((NPAD,), jnp.float32),
            pltpu.VMEM((NPAD,), jnp.float32),
            pltpu.VMEM((EK,), jnp.int32),
            pltpu.VMEM((EK,), jnp.int32),
            pltpu.SemaphoreType.DMA,
            pltpu.SemaphoreType.DMA,
            pltpu.SemaphoreType.DMA,
        ],
    )
    def colagg2_kernel(pk_hbm, gsT_hbm, out_hbm,
                       tbl, acc, e0, e1, sem_t, sem0, sem1):
        c = lax.axis_index("c")
        s = lax.axis_index("s")
        wid = c * NS + s
        col = wid % 8
        q = wid // 8
        ebase = q * eq

        def compute(buf):
            @plsc.parallel_loop(0, EK // 16, 1, unroll=4)
            def grp(g):
                ev = buf[pl.ds(g * 16, 16)]
                sv = ev & 0x3FFF
                dv = lax.shift_right_logical(ev, 14)
                v = plsc.load_gather(tbl, [sv])
                plsc.addupdate_scatter(acc, [dv], v)

        tdma = pltpu.async_copy(gsT_hbm.at[col], tbl, sem_t)

        def zbody(i, _):
            acc[pl.ds(i * 16, 16)] = jnp.zeros((16,), jnp.float32)
            return 0

        lax.fori_loop(0, NPAD // 16, zbody, 0)
        tdma.wait()

        pltpu.async_copy(pk_hbm.at[pl.ds(ebase, EK)], e0, sem0)

        def pair(i, _):
            c0 = 2 * i
            pltpu.async_copy(
                pk_hbm.at[pl.ds(ebase + (c0 + 1) * EK, EK)], e1, sem1)
            pltpu.make_async_copy(
                pk_hbm.at[pl.ds(0, EK)], e0, sem0).wait()
            compute(e0)

            @pl.when(i < n_ck // 2 - 1)
            def _():
                pltpu.async_copy(
                    pk_hbm.at[pl.ds(ebase + (c0 + 2) * EK, EK)], e0, sem0)

            pltpu.make_async_copy(
                pk_hbm.at[pl.ds(0, EK)], e1, sem1).wait()
            compute(e1)
            return 0

        lax.fori_loop(0, n_ck // 2, pair, 0)

        pltpu.sync_copy(acc, out_hbm.at[q * 8 + col])

    return colagg2_kernel


def _tc_b(deg0t_ref, deg1t_ref, x_ref, w1_ref, hsT_ref, hsP_ref, dinvT_ref):
    degT = deg0t_ref[...] + deg1t_ref[...] + 1.0
    dinvT = lax.rsqrt(degT)
    hT = lax.dot_general(
        w1_ref[...], x_ref[...],
        dimension_numbers=(((0,), (1,)), ((), ())),
        preferred_element_type=jnp.float32)
    hsT = hT * dinvT
    hsT_ref[...] = hsT
    dinvT_ref[...] = dinvT
    lo = lax.bitcast_convert_type(
        hsT[:D // 2].astype(jnp.bfloat16), jnp.uint16).astype(jnp.uint32)
    hi = lax.bitcast_convert_type(
        hsT[D // 2:].astype(jnp.bfloat16), jnp.uint16).astype(jnp.uint32)
    hsP_ref[...] = lax.bitcast_convert_type((hi << 16) | lo, jnp.int32)


def _tc_d(a0_ref, a1_ref, hsT_ref, dinvT_ref, b1_ref, w2_ref, gsT_ref):
    i = pl.program_id(0)
    dinvT = dinvT_ref[...]
    pre = a0_ref[...] + a1_ref[...] + hsT_ref[...]
    o = pre * dinvT + b1_ref[...]
    h1 = jnp.maximum(o, 0.0)
    gT = lax.dot_general(
        w2_ref[...], h1,
        dimension_numbers=(((0,), (0,)), ((), ())),
        preferred_element_type=jnp.float32)
    col = jax.lax.broadcasted_iota(jnp.int32, (1, BR), 1) + i * BR
    gsT_ref[...] = jnp.where(col < N, gT * dinvT, 0.0)


def _tc_f(acc_ref, gsT_ref, dinvT_ref, b2_ref, out_ref):
    a = acc_ref[...]
    tot = a[0:8] + a[8:16] + a[16:24] + a[24:32]
    oT = (tot + gsT_ref[...]) * dinvT_ref[...] + b2_ref[...]
    m = jnp.max(oT, axis=0, keepdims=True)
    e = jnp.exp(oT - m)
    lse = jnp.log(jnp.sum(e, axis=0, keepdims=True))
    out_ref[...] = jnp.transpose(oT - m - lse)


def kernel(x, edge_index, W1, b1, W2, b2):
    E = edge_index.shape[1]
    ept = ((E + NW * 2 * CH - 1) // (NW * 2 * CH)) * (2 * CH)
    epad = ept * NW
    pad = epad - E
    n_chunks = ept // CH

    src = jnp.concatenate([edge_index[0], jnp.full((pad,), N, jnp.int32)])
    dst = jnp.concatenate([edge_index[1], jnp.full((pad,), N, jnp.int32)])
    packed = src | (dst << 14)
    dst2 = dst.reshape(NW * n_chunks, CH)

    x_pad = jnp.pad(x, ((0, NPAD - N), (0, 0)))
    b1c = b1.reshape(D, 1)
    b2c = b2.reshape(8, 1)

    deg = _make_deg_kernel(ept)(dst2)
    deg0t = deg[:NPAD].reshape(1, NPAD)
    deg1t = deg[NPAD:].reshape(1, NPAD)

    grid = NPAD // BR
    hsT, hsP, dinvT = pl.pallas_call(
        _tc_b,
        grid=(grid,),
        in_specs=[
            pl.BlockSpec((1, BR), lambda i: (0, i)),
            pl.BlockSpec((1, BR), lambda i: (0, i)),
            pl.BlockSpec((BR, D), lambda i: (i, 0)),
            pl.BlockSpec((D, D), lambda i: (0, 0)),
        ],
        out_specs=[
            pl.BlockSpec((D, BR), lambda i: (0, i)),
            pl.BlockSpec((D // 2, BR), lambda i: (0, i)),
            pl.BlockSpec((1, BR), lambda i: (0, i)),
        ],
        out_shape=[
            jax.ShapeDtypeStruct((D, NPAD), jnp.float32),
            jax.ShapeDtypeStruct((D // 2, NPAD), jnp.int32),
            jax.ShapeDtypeStruct((1, NPAD), jnp.float32),
        ],
    )(deg0t, deg1t, x_pad, W1)

    accT = _make_colagg_kernel(epad)(packed, hsP)
    a0T = accT[:D]
    a1T = accT[D:]

    gsT = pl.pallas_call(
        _tc_d,
        grid=(grid,),
        in_specs=[
            pl.BlockSpec((D, BR), lambda i: (0, i)),
            pl.BlockSpec((D, BR), lambda i: (0, i)),
            pl.BlockSpec((D, BR), lambda i: (0, i)),
            pl.BlockSpec((1, BR), lambda i: (0, i)),
            pl.BlockSpec((D, 1), lambda i: (0, 0)),
            pl.BlockSpec((D, 8), lambda i: (0, 0)),
        ],
        out_specs=pl.BlockSpec((8, BR), lambda i: (0, i)),
        out_shape=jax.ShapeDtypeStruct((8, NPAD), jnp.float32),
    )(a0T, a1T, hsT, dinvT, b1c, W2)

    acc2 = _make_colagg2_kernel(epad)(packed, gsT)

    out = pl.pallas_call(
        _tc_f,
        grid=(grid,),
        in_specs=[
            pl.BlockSpec((4 * 8, BR), lambda i: (0, i)),
            pl.BlockSpec((8, BR), lambda i: (0, i)),
            pl.BlockSpec((1, BR), lambda i: (0, i)),
            pl.BlockSpec((8, 1), lambda i: (0, 0)),
        ],
        out_specs=pl.BlockSpec((BR, 8), lambda i: (i, 0)),
        out_shape=jax.ShapeDtypeStruct((NPAD, 8), jnp.float32),
    )(acc2, gsT, dinvT, b2c)

    return out[:N]

# --- scband reference (transcript-rebuilt; emitter-appended) ---
"""Pipeline reference for scband-gnn-62199716381547 (READ-ONLY COPY).

The authoritative reference and input builder live on the scoring server;
editing this copy changes nothing except your own understanding.
"""

import jax, jax.numpy as jnp
import numpy as np

N = 10000
E = 320000
D_IN = 128
D_H = 128
D_OUT = 8


def _gcn_conv(x, edge_index, W, b):
    # Faithful GCNConv: h = x @ W, add self-loops, symmetric normalization,
    # scatter-add aggregation over destination nodes, then add bias.
    n = x.shape[0]
    loop = jnp.arange(n, dtype=edge_index.dtype)
    src = jnp.concatenate([edge_index[0], loop])
    dst = jnp.concatenate([edge_index[1], loop])
    deg = jnp.zeros((n,), dtype=x.dtype).at[dst].add(1.0)
    dinv = jnp.where(deg > 0, jax.lax.rsqrt(deg), 0.0)
    norm = dinv[src] * dinv[dst]
    h = x @ W
    msg = h[src] * norm[:, None]
    out = jax.ops.segment_sum(msg, dst, num_segments=n)
    return out + b


def setup_inputs(seed: int = 0) -> dict:
    key = jax.random.key(seed)
    k1, k2, k3, k4, k5, k6 = jax.random.split(key, 6)
    x = jax.random.normal(k1, (N, D_IN), dtype=jnp.float32)
    edge_index = jax.random.randint(k2, (2, E), 0, N, dtype=jnp.int32)
    W1 = jax.random.normal(k3, (D_IN, D_H), dtype=jnp.float32) * (1.0 / np.sqrt(D_IN))
    b1 = jnp.zeros((D_H,), dtype=jnp.float32)
    W2 = jax.random.normal(k4, (D_H, D_OUT), dtype=jnp.float32) * (1.0 / np.sqrt(D_H))
    b2 = jnp.zeros((D_OUT,), dtype=jnp.float32)
    return {"x": x, "edge_index": edge_index, "W1": W1, "b1": b1, "W2": W2, "b2": b2}


def reference(x, edge_index, W1, b1, W2, b2):
    h = _gcn_conv(x, edge_index, W1, b1)
    h = jax.nn.relu(h)
    out = _gcn_conv(h, edge_index, W2, b2)
    return jax.nn.log_softmax(out, axis=1)

if __name__ == "__main__":
    import jax
    _d = setup_inputs()
    print(jax.jit(kernel)(*tuple(_d.values())))

</pallas_src>

<mosaic_0001>
#map = affine_map<(d0, d1) -> (0)>
#map1 = affine_map<(d0, d1) -> (0, 0)>
module attributes {stable_mosaic.version = 14 : i64} {
  func.func @colagg2_kernel(%arg0: i32, %arg1: i32, %arg2: memref<327680xi32, #tpu.memory_space<hbm>>, %arg3: memref<8x10240xf32, #tpu.memory_space<hbm>>, %arg4: memref<32x10240xf32, #tpu.memory_space<hbm>>, %arg5: memref<10240xf32, #tpu.memory_space<vmem>>, %arg6: memref<10240xf32, #tpu.memory_space<vmem>>, %arg7: memref<1024xi32, #tpu.memory_space<vmem>>, %arg8: memref<1024xi32, #tpu.memory_space<vmem>>, %arg9: memref<!tpu.dma_semaphore, #tpu.memory_space<semaphore_mem>>, %arg10: memref<!tpu.dma_semaphore, #tpu.memory_space<semaphore_mem>>, %arg11: memref<!tpu.dma_semaphore, #tpu.memory_space<semaphore_mem>>) attributes {dimension_semantics = [#tpu.dimension_semantics<core_parallel>, #tpu.dimension_semantics<subcore_parallel>], iteration_bounds = array<i64: 2, 16>, scalar_prefetch = 0 : i64, scratch_operands = 7 : i64, tpu.core_type = #tpu.core_type<sc_vector_subcore>, window_params = [{transform_indices = #map}, {transform_indices = #map1}, {transform_indices = #map1}]} {
    %mul3A = arith.constant 16 : i32
    %mul3A_0 = arith.muli %arg0, %mul3A : i32
    %add3A = arith.addi %mul3A_0, %arg1 : i32
    %jit3A = arith.constant 8 : i32
    %eq3A = arith.constant 0 : i32
    %eq3A_1 = arith.cmpi eq, %jit3A, %eq3A : i32
    %jit3A_2 = arith.constant 1 : i32
    %select_n3A = arith.select %eq3A_1, %jit3A_2, %jit3A : i32
    %rem3A = arith.remsi %add3A, %select_n3A : i32
    %ne3A = arith.constant 0 : i32
    %ne3A_3 = arith.cmpi ne, %rem3A, %ne3A : i32
    %lt3A = arith.constant 0 : i32
    %lt3A_4 = arith.cmpi slt, %rem3A, %lt3A : i32
    %lt3A_5 = arith.constant 0 : i32
    %lt3A_6 = arith.cmpi slt, %select_n3A, %lt3A_5 : i32
    %ne3A_7 = arith.xori %lt3A_4, %lt3A_6 : i1
    %and3A = arith.andi %ne3A_7, %ne3A_3 : i1
    %add3A_8 = arith.addi %rem3A, %select_n3A : i32
    %select_n3A_9 = arith.select %and3A, %add3A_8, %rem3A : i32
    %jit3A_10 = arith.constant 8 : i32
    %div3A = arith.divsi %add3A, %jit3A_10 : i32
    %sign3A = arith.constant 0 : i32
    %sign3A_11 = arith.cmpi sgt, %add3A, %sign3A : i32
    %sign3A_12 = arith.extui %sign3A_11 : i1 to i32
    %sign3A_13 = arith.constant 0 : i32
    %sign3A_14 = arith.cmpi slt, %add3A, %sign3A_13 : i32
    %sign3A_15 = arith.extui %sign3A_14 : i1 to i32
    %sign3A_16 = arith.subi %sign3A_12, %sign3A_15 : i32
    %sign3A_17 = arith.constant 0 : i32
    %sign3A_18 = arith.cmpi sgt, %jit3A_10, %sign3A_17 : i32
    %sign3A_19 = arith.extui %sign3A_18 : i1 to i32
    %sign3A_20 = arith.constant 0 : i32
    %sign3A_21 = arith.cmpi slt, %jit3A_10, %sign3A_20 : i32
    %sign3A_22 = arith.extui %sign3A_21 : i1 to i32
    %sign3A_23 = arith.subi %sign3A_19, %sign3A_22 : i32
    %ne3A_24 = arith.cmpi ne, %sign3A_16, %sign3A_23 : i32
    %rem3A_25 = arith.remsi %add3A, %jit3A_10 : i32
    %ne3A_26 = arith.constant 0 : i32
    %ne3A_27 = arith.cmpi ne, %rem3A_25, %ne3A_26 : i32
    %and3A_28 = arith.andi %ne3A_24, %ne3A_27 : i1
    %sub3A = arith.constant 1 : i32
    %sub3A_29 = arith.subi %div3A, %sub3A : i32
    %select_n3A_30 = arith.select %and3A_28, %sub3A_29, %div3A : i32
    %mul3A_31 = arith.constant 81920 : i32
    %mul3A_32 = arith.muli %select_n3A_30, %mul3A_31 : i32
    %dma_start3A = arith.constant 0 : i32
    %dma_start3A_33 = tpu.memref_slice %arg3[%select_n3A_9, %dma_start3A] : memref<8x10240xf32, #tpu.memory_space<hbm>> -> memref<1x10240xf32, #tpu.memory_space<hbm>>
    %dma_start3A_34 = tpu.memref_squeeze %dma_start3A_33 : memref<1x10240xf32, #tpu.memory_space<hbm>> -> memref<10240xf32, #tpu.memory_space<hbm>>
    %dma_start3A_35 = arith.constant 0 : i32
    %dma_start3A_36 = tpu.memref_slice %arg3[%select_n3A_9, %dma_start3A_35] : memref<8x10240xf32, #tpu.memory_space<hbm>> -> memref<1x10240xf32, #tpu.memory_space<hbm>>
    %dma_start3A_37 = tpu.memref_squeeze %dma_start3A_36 : memref<1x10240xf32, #tpu.memory_space<hbm>> -> memref<10240xf32, #tpu.memory_space<hbm>>
    tpu.enqueue_dma source(%dma_start3A_37 : memref<10240xf32, #tpu.memory_space<hbm>>) target(%arg5 : memref<10240xf32, #tpu.memory_space<vmem>>) target_semaphore(%arg9 : memref<!tpu.dma_semaphore, #tpu.memory_space<semaphore_mem>>)
    %scan3A = arith.constant 0 : i32
    %scan3A_38 = arith.constant 0 : i32
    %scan3A_39 = arith.constant 640 : i32
    %scan3A_40 = arith.addi %scan3A_38, %scan3A_39 : i32
    %scan3A_41 = arith.constant 1 : i32
    %scan3A_42 = scf.for %scan3A_61 = %scan3A_38 to %scan3A_40 step %scan3A_41 iter_args(%scan3A_62 = %scan3A) -> (i32)  : i32 {
      %broadcast_in_dim3A = arith.constant 0.000000e+00 : f32
      %broadcast_in_dim3A_63 = vector.broadcast %broadcast_in_dim3A : f32 to vector<16xf32>
      %mul3A_64 = arith.constant 16 : i32
      %mul3A_65 = arith.muli %scan3A_61, %mul3A_64 : i32
      %swap3A = arith.index_cast %mul3A_65 : i32 to index
      %swap3A_66 = tpu.vector_load %arg6[%swap3A] {strides = array<i32>} : memref<10240xf32, #tpu.memory_space<vmem>>, vector<16xf32>,
      tpu.vector_store %arg6[%swap3A], %broadcast_in_dim3A_63 {strides = array<i32>} : memref<10240xf32, #tpu.memory_space<vmem>>, vector<16xf32>,
      %scan3A_67 = arith.constant 0 : i32
      scf.yield %scan3A_67 : i32
    }
    %scan3A_43 = arith.constant 640 : i32
    %dma_wait3A = arith.constant 0 : i32
    %dma_wait3A_44 = tpu.memref_slice %arg3[%select_n3A_9, %dma_wait3A] : memref<8x10240xf32, #tpu.memory_space<hbm>> -> memref<1x10240xf32, #tpu.memory_space<hbm>>
    %dma_wait3A_45 = tpu.memref_squeeze %dma_wait3A_44 : memref<1x10240xf32, #tpu.memory_space<hbm>> -> memref<10240xf32, #tpu.memory_space<hbm>>
    %dma_wait3A_46 = arith.constant 0 : i32
    %dma_wait3A_47 = tpu.memref_slice %arg3[%select_n3A_9, %dma_wait3A_46] : memref<8x10240xf32, #tpu.memory_space<hbm>> -> memref<1x10240xf32, #tpu.memory_space<hbm>>
    %dma_wait3A_48 = tpu.memref_squeeze %dma_wait3A_47 : memref<1x10240xf32, #tpu.memory_space<hbm>> -> memref<10240xf32, #tpu.memory_space<hbm>>
    tpu.wait_dma2 semaphore(%arg9 : memref<!tpu.dma_semaphore, #tpu.memory_space<semaphore_mem>>) src(%dma_wait3A_48 : memref<10240xf32, #tpu.memory_space<hbm>>) dst(%arg5 : memref<10240xf32, #tpu.memory_space<vmem>>)
    %dma_start3A_49 = tpu.memref_slice %arg2[%mul3A_32] : memref<327680xi32, #tpu.memory_space<hbm>> -> memref<1024xi32, #tpu.memory_space<hbm>>
    %dma_start3A_50 = tpu.memref_slice %arg2[%mul3A_32] : memref<327680xi32, #tpu.memory_space<hbm>> -> memref<1024xi32, #tpu.memory_space<hbm>>
    tpu.enqueue_dma source(%dma_start3A_50 : memref<1024xi32, #tpu.memory_space<hbm>>) target(%arg7 : memref<1024xi32, #tpu.memory_space<vmem>>) target_semaphore(%arg10 : memref<!tpu.dma_semaphore, #tpu.memory_space<semaphore_mem>>)
    %scan3A_51 = arith.constant 0 : i32
    %scan3A_52 = arith.constant 0 : i32
    %scan3A_53 = arith.constant 40 : i32
    %scan3A_54 = arith.addi %scan3A_52, %scan3A_53 : i32
    %scan3A_55 = arith.constant 1 : i32
    %scan3A_56 = scf.for %scan3A_61 = %scan3A_52 to %scan3A_54 step %scan3A_55 iter_args(%scan3A_62 = %scan3A_51) -> (i32)  : i32 {
      %mul3A_63 = arith.constant 2 : i32
      %mul3A_64 = arith.muli %mul3A_63, %scan3A_61 : i32
      %add3A_65 = arith.constant 1 : i32
      %add3A_66 = arith.addi %mul3A_64, %add3A_65 : i32
      %mul3A_67 = arith.constant 1024 : i32
      %mul3A_68 = arith.muli %add3A_66, %mul3A_67 : i32
      %add3A_69 = arith.addi %mul3A_32, %mul3A_68 : i32
      %dma_start3A_70 = tpu.memref_slice %arg2[%add3A_69] : memref<327680xi32, #tpu.memory_space<hbm>> -> memref<1024xi32, #tpu.memory_space<hbm>>
      %dma_start3A_71 = tpu.memref_slice %arg2[%add3A_69] : memref<327680xi32, #tpu.memory_space<hbm>> -> memref<1024xi32, #tpu.memory_space<hbm>>
      tpu.enqueue_dma source(%dma_start3A_71 : memref<1024xi32, #tpu.memory_space<hbm>>) target(%arg8 : memref<1024xi32, #tpu.memory_space<vmem>>) target_semaphore(%arg11 : memref<!tpu.dma_semaphore, #tpu.memory_space<semaphore_mem>>)
      %dma_wait3A_72 = arith.constant 0 : i32
      %dma_wait3A_73 = tpu.memref_slice %arg2[%dma_wait3A_72] : memref<327680xi32, #tpu.memory_space<hbm>> -> memref<1024xi32, #tpu.memory_space<hbm>>
      %dma_wait3A_74 = arith.constant 0 : i32
      %dma_wait3A_75 = tpu.memref_slice %arg2[%dma_wait3A_74] : memref<327680xi32, #tpu.memory_space<hbm>> -> memref<1024xi32, #tpu.memory_space<hbm>>
      tpu.wait_dma2 semaphore(%arg10 : memref<!tpu.dma_semaphore, #tpu.memory_space<semaphore_mem>>) src(%dma_wait3A_75 : memref<1024xi32, #tpu.memory_space<hbm>>) dst(%arg7 : memref<1024xi32, #tpu.memory_space<vmem>>)
      %parallel_loop3A = arith.constant 0 : i32
      %parallel_loop3A_76 = arith.constant 64 : i32
      %parallel_loop3A_77 = arith.constant 1 : i32
      scf.for %parallel_loop3A_89 = %parallel_loop3A to %parallel_loop3A_76 step %parallel_loop3A_77  : i32 {
        %parallel_loop3A_90 = arith.constant 16 : i32
        %parallel_loop3A_91 = arith.muli %parallel_loop3A_89, %parallel_loop3A_90 : i32
        %parallel_loop3A_92 = arith.index_cast %parallel_loop3A_91 : i32 to index
        %parallel_loop3A_93 = tpu.vector_load %arg7[%parallel_loop3A_92] {strides = array<i32>} : memref<1024xi32, #tpu.memory_space<vmem>>, vector<16xi32>,
        %parallel_loop3A_94 = arith.constant 16383 : i32
        %parallel_loop3A_95 = vector.broadcast %parallel_loop3A_94 : i32 to vector<16xi32>
        %parallel_loop3A_96 = arith.andi %parallel_loop3A_93, %parallel_loop3A_95 : vector<16xi32>
        %parallel_loop3A_97 = arith.constant 14 : i32
        %parallel_loop3A_98 = vector.broadcast %parallel_loop3A_97 : i32 to vector<16xi32>
        %parallel_loop3A_99 = arith.shrui %parallel_loop3A_93, %parallel_loop3A_98 : vector<16xi32>
        %parallel_loop3A_100 = tpu.vector_load_idx %arg5[%parallel_loop3A_96] : memref<10240xf32, #tpu.memory_space<vmem>>[vector<16xi32>], vector<16xf32>,
        tpu.vector_store_idx %arg6[%parallel_loop3A_99], %parallel_loop3A_100 {add = true} : memref<10240xf32, #tpu.memory_space<vmem>>[vector<16xi32>], vector<16xf32>,
      } {sc.loop_unroll_factor = 4 : i64, sc.parallel_access}
      %lt3A_78 = arith.constant 39 : i32
      %lt3A_79 = arith.cmpi slt, %scan3A_61, %lt3A_78 : i32
      %convert_element_type3A = arith.extui %lt3A_79 : i1 to i32
      %cond3A = arith.constant 0 : i32
      %cond3A_80 = arith.cmpi ne, %convert_element_type3A, %cond3A : i32
      scf.if %cond3A_80 {
        %add3A_89 = arith.constant 2 : i32
        %add3A_90 = arith.addi %mul3A_64, %add3A_89 : i32
        %mul3A_91 = arith.constant 1024 : i32
        %mul3A_92 = arith.muli %add3A_90, %mul3A_91 : i32
        %add3A_93 = arith.addi %mul3A_32, %mul3A_92 : i32
        %dma_start3A_94 = tpu.memref_slice %arg2[%add3A_93] : memref<327680xi32, #tpu.memory_space<hbm>> -> memref<1024xi32, #tpu.memory_space<hbm>>
        %dma_start3A_95 = tpu.memref_slice %arg2[%add3A_93] : memref<327680xi32, #tpu.memory_space<hbm>> -> memref<1024xi32, #tpu.memory_space<hbm>>
        tpu.enqueue_dma source(%dma_start3A_95 : memref<1024xi32, #tpu.memory_space<hbm>>) target(%arg7 : memref<1024xi32, #tpu.memory_space<vmem>>) target_semaphore(%arg10 : memref<!tpu.dma_semaphore, #tpu.memory_space<semaphore_mem>>)
      } else {
      }
      %dma_wait3A_81 = arith.constant 0 : i32
      %dma_wait3A_82 = tpu.memref_slice %arg2[%dma_wait3A_81] : memref<327680xi32, #tpu.memory_space<hbm>> -> memref<1024xi32, #tpu.memory_space<hbm>>
      %dma_wait3A_83 = arith.constant 0 : i32
      %dma_wait3A_84 = tpu.memref_slice %arg2[%dma_wait3A_83] : memref<327680xi32, #tpu.memory_space<hbm>> -> memref<1024xi32, #tpu.memory_space<hbm>>
      tpu.wait_dma2 semaphore(%arg11 : memref<!tpu.dma_semaphore, #tpu.memory_space<semaphore_mem>>) src(%dma_wait3A_84 : memref<1024xi32, #tpu.memory_space<hbm>>) dst(%arg8 : memref<1024xi32, #tpu.memory_space<vmem>>)
      %parallel_loop3A_85 = arith.constant 0 : i32
      %parallel_loop3A_86 = arith.constant 64 : i32
      %parallel_loop3A_87 = arith.constant 1 : i32
      scf.for %parallel_loop3A_89 = %parallel_loop3A_85 to %parallel_loop3A_86 step %parallel_loop3A_87  : i32 {
        %parallel_loop3A_90 = arith.constant 16 : i32
        %parallel_loop3A_91 = arith.muli %parallel_loop3A_89, %parallel_loop3A_90 : i32
        %parallel_loop3A_92 = arith.index_cast %parallel_loop3A_91 : i32 to index
        %parallel_loop3A_93 = tpu.vector_load %arg8[%parallel_loop3A_92] {strides = array<i32>} : memref<1024xi32, #tpu.memory_space<vmem>>, vector<16xi32>,
        %parallel_loop3A_94 = arith.constant 16383 : i32
        %parallel_loop3A_95 = vector.broadcast %parallel_loop3A_94 : i32 to vector<16xi32>
        %parallel_loop3A_96 = arith.andi %parallel_loop3A_93, %parallel_loop3A_95 : vector<16xi32>
        %parallel_loop3A_97 = arith.constant 14 : i32
        %parallel_loop3A_98 = vector.broadcast %parallel_loop3A_97 : i32 to vector<16xi32>
        %parallel_loop3A_99 = arith.shrui %parallel_loop3A_93, %parallel_loop3A_98 : vector<16xi32>
        %parallel_loop3A_100 = tpu.vector_load_idx %arg5[%parallel_loop3A_96] : memref<10240xf32, #tpu.memory_space<vmem>>[vector<16xi32>], vector<16xf32>,
        tpu.vector_store_idx %arg6[%parallel_loop3A_99], %parallel_loop3A_100 {add = true} : memref<10240xf32, #tpu.memory_space<vmem>>[vector<16xi32>], vector<16xf32>,
      } {sc.loop_unroll_factor = 4 : i64, sc.parallel_access}
      %scan3A_88 = arith.constant 0 : i32
      scf.yield %scan3A_88 : i32
    }
    %scan3A_57 = arith.constant 40 : i32
    %mul3A_58 = arith.constant 8 : i32
    %mul3A_59 = arith.muli %select_n3A_30, %mul3A_58 : i32
    %add3A_60 = arith.addi %mul3A_59, %select_n3A_9 : i32
    "tpu.region"() ({
      %run_scoped3A = tpu.sem_alloc : memref<!tpu.dma_semaphore, #tpu.memory_space<semaphore_mem>>
      %dma_start3A_61 = arith.constant 0 : i32
      %dma_start3A_62 = tpu.memref_slice %arg4[%add3A_60, %dma_start3A_61] : memref<32x10240xf32, #tpu.memory_space<hbm>> -> memref<1x10240xf32, #tpu.memory_space<hbm>>
      %dma_start3A_63 = tpu.memref_squeeze %dma_start3A_62 : memref<1x10240xf32, #tpu.memory_space<hbm>> -> memref<10240xf32, #tpu.memory_space<hbm>>
      %dma_start3A_64 = arith.constant 0 : i32
      %dma_start3A_65 = tpu.memref_slice %arg4[%add3A_60, %dma_start3A_64] : memref<32x10240xf32, #tpu.memory_space<hbm>> -> memref<1x10240xf32, #tpu.memory_space<hbm>>
      %dma_start3A_66 = tpu.memref_squeeze %dma_start3A_65 : memref<1x10240xf32, #tpu.memory_space<hbm>> -> memref<10240xf32, #tpu.memory_space<hbm>>
      tpu.enqueue_dma source(%arg6 : memref<10240xf32, #tpu.memory_space<vmem>>) target(%dma_start3A_66 : memref<10240xf32, #tpu.memory_space<hbm>>) target_semaphore(%run_scoped3A : memref<!tpu.dma_semaphore, #tpu.memory_space<semaphore_mem>>)
      %dma_wait3A_67 = arith.constant 0 : i32
      %dma_wait3A_68 = tpu.memref_slice %arg4[%add3A_60, %dma_wait3A_67] : memref<32x10240xf32, #tpu.memory_space<hbm>> -> memref<1x10240xf32, #tpu.memory_space<hbm>>
      %dma_wait3A_69 = tpu.memref_squeeze %dma_wait3A_68 : memref<1x10240xf32, #tpu.memory_space<hbm>> -> memref<10240xf32, #tpu.memory_space<hbm>>
      %dma_wait3A_70 = arith.constant 0 : i32
      %dma_wait3A_71 = tpu.memref_slice %arg4[%add3A_60, %dma_wait3A_70] : memref<32x10240xf32, #tpu.memory_space<hbm>> -> memref<1x10240xf32, #tpu.memory_space<hbm>>
      %dma_wait3A_72 = tpu.memref_squeeze %dma_wait3A_71 : memref<1x10240xf32, #tpu.memory_space<hbm>> -> memref<10240xf32, #tpu.memory_space<hbm>>
      tpu.wait_dma2 semaphore(%run_scoped3A : memref<!tpu.dma_semaphore, #tpu.memory_space<semaphore_mem>>) src(%arg6 : memref<10240xf32, #tpu.memory_space<vmem>>) dst(%dma_wait3A_72 : memref<10240xf32, #tpu.memory_space<hbm>>)
      tpu.yield
    }) : () -> ()
    return
  }
}

#map = affine_map<(d0, d1) -> (0, 0)>
#map1 = affine_map<(d0, d1) -> (0)>
module attributes {stable_mosaic.version = 14 : i64} {
  func.func @deg_kernel(%arg0: i32, %arg1: i32, %arg2: memref<2560x128xi32, #tpu.memory_space<hbm>>, %arg3: memref<20480xf32, #tpu.memory_space<hbm>>, %arg4: memref<80x128xi32, #tpu.memory_space<vmem>>, %arg5: memref<128xf32, #tpu.memory_space<vmem>>, %arg6: memref<640xf32, #tpu.memory_space<vmem>>, %arg7: memref<10240xf32, #tpu.memory_space<vmem_shared>>, %arg8: memref<!tpu.dma_semaphore, #tpu.memory_space<semaphore_mem>>, %arg9: memref<!tpu.dma_semaphore, #tpu.memory_space<semaphore_mem>>) attributes {dimension_semantics = [#tpu.dimension_semantics<core_parallel>, #tpu.dimension_semantics<subcore_parallel>], iteration_bounds = array<i64: 2, 16>, scalar_prefetch = 0 : i64, scratch_operands = 6 : i64, tpu.core_type = #tpu.core_type<sc_vector_subcore>, window_params = [{transform_indices = #map}, {transform_indices = #map1}]} {
    %mul3A = arith.constant 16 : i32
    %mul3A_0 = arith.muli %arg0, %mul3A : i32
    %add3A = arith.addi %mul3A_0, %arg1 : i32
    %mul3A_1 = arith.constant 80 : i32
    %mul3A_2 = arith.muli %add3A, %mul3A_1 : i32
    %dma_start3A = arith.constant 0 : i32
    %dma_start3A_3 = tpu.memref_slice %arg2[%mul3A_2, %dma_start3A] : memref<2560x128xi32, #tpu.memory_space<hbm>> -> memref<80x128xi32, #tpu.memory_space<hbm>>
    %dma_start3A_4 = arith.constant 0 : i32
    %dma_start3A_5 = tpu.memref_slice %arg2[%mul3A_2, %dma_start3A_4] : memref<2560x128xi32, #tpu.memory_space<hbm>> -> memref<80x128xi32, #tpu.memory_space<hbm>>
    tpu.enqueue_dma source(%dma_start3A_5 : memref<80x128xi32, #tpu.memory_space<hbm>>) target(%arg4 : memref<80x128xi32, #tpu.memory_space<vmem>>) target_semaphore(%arg8 : memref<!tpu.dma_semaphore, #tpu.memory_space<semaphore_mem>>)
    %scan3A = arith.constant 0 : i32
    %scan3A_6 = arith.constant 0 : i32
    %scan3A_7 = arith.constant 40 : i32
    %scan3A_8 = arith.addi %scan3A_6, %scan3A_7 : i32
    %scan3A_9 = arith.constant 1 : i32
    %scan3A_10 = scf.for %scan3A_39 = %scan3A_6 to %scan3A_8 step %scan3A_9 iter_args(%scan3A_40 = %scan3A) -> (i32)  : i32 {
      %broadcast_in_dim3A = arith.constant 0.000000e+00 : f32
      %broadcast_in_dim3A_41 = vector.broadcast %broadcast_in_dim3A : f32 to vector<16xf32>
      %mul3A_42 = arith.constant 16 : i32
      %mul3A_43 = arith.muli %scan3A_39, %mul3A_42 : i32
      %swap3A = arith.index_cast %mul3A_43 : i32 to index
      %swap3A_44 = tpu.vector_load %arg6[%swap3A] {strides = array<i32>} : memref<640xf32, #tpu.memory_space<vmem>>, vector<16xf32>,
      tpu.vector_store %arg6[%swap3A], %broadcast_in_dim3A_41 {strides = array<i32>} : memref<640xf32, #tpu.memory_space<vmem>>, vector<16xf32>,
      %scan3A_45 = arith.constant 0 : i32
      scf.yield %scan3A_45 : i32
    }
    %scan3A_11 = arith.constant 40 : i32
    %scan3A_12 = arith.constant 0 : i32
    %scan3A_13 = arith.constant 0 : i32
    %scan3A_14 = arith.constant 8 : i32
    %scan3A_15 = arith.addi %scan3A_13, %scan3A_14 : i32
    %scan3A_16 = arith.constant 1 : i32
    %scan3A_17 = scf.for %scan3A_39 = %scan3A_13 to %scan3A_15 step %scan3A_16 iter_args(%scan3A_40 = %scan3A_12) -> (i32)  : i32 {
      %broadcast_in_dim3A = arith.constant 1.000000e+00 : f32
      %broadcast_in_dim3A_41 = vector.broadcast %broadcast_in_dim3A : f32 to vector<16xf32>
      %mul3A_42 = arith.constant 16 : i32
      %mul3A_43 = arith.muli %scan3A_39, %mul3A_42 : i32
      %swap3A = arith.index_cast %mul3A_43 : i32 to index
      %swap3A_44 = tpu.vector_load %arg5[%swap3A] {strides = array<i32>} : memref<128xf32, #tpu.memory_space<vmem>>, vector<16xf32>,
      tpu.vector_store %arg5[%swap3A], %broadcast_in_dim3A_41 {strides = array<i32>} : memref<128xf32, #tpu.memory_space<vmem>>, vector<16xf32>,
      %scan3A_45 = arith.constant 0 : i32
      scf.yield %scan3A_45 : i32
    }
    %scan3A_18 = arith.constant 8 : i32
    %mul3A_19 = arith.constant 640 : i32
    %mul3A_20 = arith.muli %arg1, %mul3A_19 : i32
    "tpu.region"() ({
      %run_scoped3A = tpu.sem_alloc : memref<!tpu.dma_semaphore, #tpu.memory_space<semaphore_mem>>
      %dma_start3A_39 = tpu.memref_slice %arg7[%mul3A_20] : memref<10240xf32, #tpu.memory_space<vmem_shared>> -> memref<640xf32, #tpu.memory_space<vmem_shared>>
      %dma_start3A_40 = tpu.memref_slice %arg7[%mul3A_20] : memref<10240xf32, #tpu.memory_space<vmem_shared>> -> memref<640xf32, #tpu.memory_space<vmem_shared>>
      tpu.enqueue_dma source(%arg6 : memref<640xf32, #tpu.memory_space<vmem>>) target(%dma_start3A_40 : memref<640xf32, #tpu.memory_space<vmem_shared>>) target_semaphore(%run_scoped3A : memref<!tpu.dma_semaphore, #tpu.memory_space<semaphore_mem>>)
      %dma_wait3A_41 = tpu.memref_slice %arg7[%mul3A_20] : memref<10240xf32, #tpu.memory_space<vmem_shared>> -> memref<640xf32, #tpu.memory_space<vmem_shared>>
      %dma_wait3A_42 = tpu.memref_slice %arg7[%mul3A_20] : memref<10240xf32, #tpu.memory_space<vmem_shared>> -> memref<640xf32, #tpu.memory_space<vmem_shared>>
      tpu.wait_dma2 semaphore(%run_scoped3A : memref<!tpu.dma_semaphore, #tpu.memory_space<semaphore_mem>>) src(%arg6 : memref<640xf32, #tpu.memory_space<vmem>>) dst(%dma_wait3A_42 : memref<640xf32, #tpu.memory_space<vmem_shared>>)
      tpu.yield
    }) : () -> ()
    %barrier3A = arith.constant 0 : index
    tpu.barrier barrier_id(%barrier3A)
    %dma_wait3A = arith.constant 0 : i32
    %dma_wait3A_21 = tpu.memref_slice %arg2[%mul3A_2, %dma_wait3A] : memref<2560x128xi32, #tpu.memory_space<hbm>> -> memref<80x128xi32, #tpu.memory_space<hbm>>
    %dma_wait3A_22 = arith.constant 0 : i32
    %dma_wait3A_23 = tpu.memref_slice %arg2[%mul3A_2, %dma_wait3A_22] : memref<2560x128xi32, #tpu.memory_space<hbm>> -> memref<80x128xi32, #tpu.memory_space<hbm>>
    tpu.wait_dma2 semaphore(%arg8 : memref<!tpu.dma_semaphore, #tpu.memory_space<semaphore_mem>>) src(%dma_wait3A_23 : memref<80x128xi32, #tpu.memory_space<hbm>>) dst(%arg4 : memref<80x128xi32, #tpu.memory_space<vmem>>)
    %scan3A_24 = arith.constant 0 : i32
    %scan3A_25 = arith.constant 0 : i32
    %scan3A_26 = arith.constant 5 : i32
    %scan3A_27 = arith.addi %scan3A_25, %scan3A_26 : i32
    %scan3A_28 = arith.constant 1 : i32
    %scan3A_29 = scf.for %scan3A_39 = %scan3A_25 to %scan3A_27 step %scan3A_28 iter_args(%scan3A_40 = %scan3A_24) -> (i32)  : i32 {
      %scan3A_41 = arith.constant 0 : i32
      %scan3A_42 = arith.constant 0 : i32
      %scan3A_43 = arith.constant 16 : i32
      %scan3A_44 = arith.addi %scan3A_42, %scan3A_43 : i32
      %scan3A_45 = arith.constant 1 : i32
      %scan3A_46 = scf.for %scan3A_56 = %scan3A_42 to %scan3A_44 step %scan3A_45 iter_args(%scan3A_57 = %scan3A_41) -> (i32)  : i32 {
        %mul3A_58 = arith.constant 16 : i32
        %mul3A_59 = arith.muli %scan3A_39, %mul3A_58 : i32
        %add3A_60 = arith.addi %mul3A_59, %scan3A_56 : i32
        %dma_start3A_61 = arith.constant 0 : i32
        %dma_start3A_62 = tpu.memref_slice %arg4[%add3A_60, %dma_start3A_61] : memref<80x128xi32, #tpu.memory_space<vmem>> -> memref<1x128xi32, #tpu.memory_space<vmem>>
        %dma_start3A_63 = tpu.memref_squeeze %dma_start3A_62 : memref<1x128xi32, #tpu.memory_space<vmem>> -> memref<128xi32, #tpu.memory_space<vmem>>
        %dma_start3A_64 = arith.constant 0 : i32
        %dma_start3A_65 = tpu.memref_slice %arg7[%dma_start3A_64] : memref<10240xf32, #tpu.memory_space<vmem_shared>> -> memref<10240xf32, #tpu.memory_space<vmem_shared>>
        tpu.enqueue_indirect_dma source(%arg5 : memref<128xf32, #tpu.memory_space<vmem>>) target(%dma_start3A_65 : memref<10240xf32, #tpu.memory_space<vmem_shared>>) offsets(%dma_start3A_63 : memref<128xi32, #tpu.memory_space<vmem>>) semaphore(%arg9 : memref<!tpu.dma_semaphore, #tpu.memory_space<semaphore_mem>>) {add = true}
        %scan3A_66 = arith.constant 0 : i32
        scf.yield %scan3A_66 : i32
      }
      %scan3A_47 = arith.constant 16 : i32
      %scan3A_48 = arith.constant 0 : i32
      %scan3A_49 = arith.constant 0 : i32
      %scan3A_50 = arith.constant 16 : i32
      %scan3A_51 = arith.addi %scan3A_49, %scan3A_50 : i32
      %scan3A_52 = arith.constant 1 : i32
      %scan3A_53 = scf.for %scan3A_56 = %scan3A_49 to %scan3A_51 step %scan3A_52 iter_args(%scan3A_57 = %scan3A_48) -> (i32)  : i32 {
        %dma_wait3A_58 = arith.constant 0 : i32
        %dma_wait3A_59 = arith.constant 0 : i32
        %dma_wait3A_60 = tpu.memref_slice %arg4[%dma_wait3A_58, %dma_wait3A_59] : memref<80x128xi32, #tpu.memory_space<vmem>> -> memref<1x128xi32, #tpu.memory_space<vmem>>
        %dma_wait3A_61 = tpu.memref_squeeze %dma_wait3A_60 : memref<1x128xi32, #tpu.memory_space<vmem>> -> memref<128xi32, #tpu.memory_space<vmem>>
        %dma_wait3A_62 = arith.constant 0 : i32
        %dma_wait3A_63 = tpu.memref_slice %arg7[%dma_wait3A_62] : memref<10240xf32, #tpu.memory_space<vmem_shared>> -> memref<10240xf32, #tpu.memory_space<vmem_shared>>
        tpu.wait_indirect_dma semaphore(%arg9 : memref<!tpu.dma_semaphore, #tpu.memory_space<semaphore_mem>>) src(%arg5 : memref<128xf32, #tpu.memory_space<vmem>>) dst(%dma_wait3A_63 : memref<10240xf32, #tpu.memory_space<vmem_shared>>)
        %scan3A_64 = arith.constant 0 : i32
        scf.yield %scan3A_64 : i32
      }
      %scan3A_54 = arith.constant 16 : i32
      %scan3A_55 = arith.constant 0 : i32
      scf.yield %scan3A_55 : i32
    }
    %scan3A_30 = arith.constant 5 : i32
    %barrier3A_31 = arith.constant 0 : index
    tpu.barrier barrier_id(%barrier3A_31)
    %mul3A_32 = arith.constant 640 : i32
    %mul3A_33 = arith.muli %arg1, %mul3A_32 : i32
    "tpu.region"() ({
      %run_scoped3A = tpu.sem_alloc : memref<!tpu.dma_semaphore, #tpu.memory_space<semaphore_mem>>
      %dma_start3A_39 = tpu.memref_slice %arg7[%mul3A_33] : memref<10240xf32, #tpu.memory_space<vmem_shared>> -> memref<640xf32, #tpu.memory_space<vmem_shared>>
      %dma_start3A_40 = tpu.memref_slice %arg7[%mul3A_33] : memref<10240xf32, #tpu.memory_space<vmem_shared>> -> memref<640xf32, #tpu.memory_space<vmem_shared>>
      tpu.enqueue_dma source(%dma_start3A_40 : memref<640xf32, #tpu.memory_space<vmem_shared>>) target(%arg6 : memref<640xf32, #tpu.memory_space<vmem>>) target_semaphore(%run_scoped3A : memref<!tpu.dma_semaphore, #tpu.memory_space<semaphore_mem>>)
      %dma_wait3A_41 = tpu.memref_slice %arg7[%mul3A_33] : memref<10240xf32, #tpu.memory_space<vmem_shared>> -> memref<640xf32, #tpu.memory_space<vmem_shared>>
      %dma_wait3A_42 = tpu.memref_slice %arg7[%mul3A_33] : memref<10240xf32, #tpu.memory_space<vmem_shared>> -> memref<640xf32, #tpu.memory_space<vmem_shared>>
      tpu.wait_dma2 semaphore(%run_scoped3A : memref<!tpu.dma_semaphore, #tpu.memory_space<semaphore_mem>>) src(%dma_wait3A_42 : memref<640xf32, #tpu.memory_space<vmem_shared>>) dst(%arg6 : memref<640xf32, #tpu.memory_space<vmem>>)
      tpu.yield
    }) : () -> ()
    %mul3A_34 = arith.constant 10240 : i32
    %mul3A_35 = arith.muli %arg0, %mul3A_34 : i32
    %mul3A_36 = arith.constant 640 : i32
    %mul3A_37 = arith.muli %arg1, %mul3A_36 : i32
    %add3A_38 = arith.addi %mul3A_35, %mul3A_37 : i32
    "tpu.region"() ({
      %run_scoped3A = tpu.sem_alloc : memref<!tpu.dma_semaphore, #tpu.memory_space<semaphore_mem>>
      %dma_start3A_39 = tpu.memref_slice %arg3[%add3A_38] : memref<20480xf32, #tpu.memory_space<hbm>> -> memref<640xf32, #tpu.memory_space<hbm>>
      %dma_start3A_40 = tpu.memref_slice %arg3[%add3A_38] : memref<20480xf32, #tpu.memory_space<hbm>> -> memref<640xf32, #tpu.memory_space<hbm>>
      tpu.enqueue_dma source(%arg6 : memref<640xf32, #tpu.memory_space<vmem>>) target(%dma_start3A_40 : memref<640xf32, #tpu.memory_space<hbm>>) target_semaphore(%run_scoped3A : memref<!tpu.dma_semaphore, #tpu.memory_space<semaphore_mem>>)
      %dma_wait3A_41 = tpu.memref_slice %arg3[%add3A_38] : memref<20480xf32, #tpu.memory_space<hbm>> -> memref<640xf32, #tpu.memory_space<hbm>>
      %dma_wait3A_42 = tpu.memref_slice %arg3[%add3A_38] : memref<20480xf32, #tpu.memory_space<hbm>> -> memref<640xf32, #tpu.memory_space<hbm>>
      tpu.wait_dma2 semaphore(%run_scoped3A : memref<!tpu.dma_semaphore, #tpu.memory_space<semaphore_mem>>) src(%arg6 : memref<640xf32, #tpu.memory_space<vmem>>) dst(%dma_wait3A_42 : memref<640xf32, #tpu.memory_space<hbm>>)
      tpu.yield
    }) : () -> ()
    return
  }
}

#map = affine_map<(d0, d1) -> (0)>
#map1 = affine_map<(d0, d1) -> (0, 0)>
module attributes {stable_mosaic.version = 14 : i64} {
  func.func @colagg_kernel(%arg0: i32, %arg1: i32, %arg2: memref<327680xi32, #tpu.memory_space<hbm>>, %arg3: memref<64x10240xi32, #tpu.memory_space<hbm>>, %arg4: memref<256x10240xf32, #tpu.memory_space<hbm>>, %arg5: memref<4x10240xi32, #tpu.memory_space<vmem>>, %arg6: memref<8x10240xf32, #tpu.memory_space<vmem>>, %arg7: memref<1024xi32, #tpu.memory_space<vmem>>, %arg8: memref<1024xi32, #tpu.memory_space<vmem>>, %arg9: memref<!tpu.dma_semaphore, #tpu.memory_space<semaphore_mem>>, %arg10: memref<!tpu.dma_semaphore, #tpu.memory_space<semaphore_mem>>, %arg11: memref<!tpu.dma_semaphore, #tpu.memory_space<semaphore_mem>>) attributes {dimension_semantics = [#tpu.dimension_semantics<core_parallel>, #tpu.dimension_semantics<subcore_parallel>], iteration_bounds = array<i64: 2, 16>, scalar_prefetch = 0 : i64, scratch_operands = 7 : i64, tpu.core_type = #tpu.core_type<sc_vector_subcore>, window_params = [{transform_indices = #map}, {transform_indices = #map1}, {transform_indices = #map1}]} {
    %mul3A = arith.constant 163840 : i32
    %mul3A_0 = arith.muli %arg0, %mul3A : i32
    %mul3A_1 = arith.constant 4 : i32
    %mul3A_2 = arith.muli %arg1, %mul3A_1 : i32
    %dma_start3A = arith.constant 0 : i32
    %dma_start3A_3 = tpu.memref_slice %arg3[%mul3A_2, %dma_start3A] : memref<64x10240xi32, #tpu.memory_space<hbm>> -> memref<4x10240xi32, #tpu.memory_space<hbm>>
    %dma_start3A_4 = arith.constant 0 : i32
    %dma_start3A_5 = tpu.memref_slice %arg3[%mul3A_2, %dma_start3A_4] : memref<64x10240xi32, #tpu.memory_space<hbm>> -> memref<4x10240xi32, #tpu.memory_space<hbm>>
    tpu.enqueue_dma source(%dma_start3A_5 : memref<4x10240xi32, #tpu.memory_space<hbm>>) target(%arg5 : memref<4x10240xi32, #tpu.memory_space<vmem>>) target_semaphore(%arg9 : memref<!tpu.dma_semaphore, #tpu.memory_space<semaphore_mem>>)
    %scan3A = arith.constant 0 : i32
    %scan3A_6 = arith.constant 0 : i32
    %scan3A_7 = arith.constant 5120 : i32
    %scan3A_8 = arith.addi %scan3A_6, %scan3A_7 : i32
    %scan3A_9 = arith.constant 1 : i32
    %scan3A_10 = scf.for %scan3A_35 = %scan3A_6 to %scan3A_8 step %scan3A_9 iter_args(%scan3A_36 = %scan3A) -> (i32)  : i32 {
      %jit3A = arith.constant 640 : i32
      %div3A = arith.divsi %scan3A_35, %jit3A : i32
      %sign3A = arith.constant 0 : i32
      %sign3A_37 = arith.cmpi sgt, %scan3A_35, %sign3A : i32
      %sign3A_38 = arith.extui %sign3A_37 : i1 to i32
      %sign3A_39 = arith.constant 0 : i32
      %sign3A_40 = arith.cmpi slt, %scan3A_35, %sign3A_39 : i32
      %sign3A_41 = arith.extui %sign3A_40 : i1 to i32
      %sign3A_42 = arith.subi %sign3A_38, %sign3A_41 : i32
      %sign3A_43 = arith.constant 0 : i32
      %sign3A_44 = arith.cmpi sgt, %jit3A, %sign3A_43 : i32
      %sign3A_45 = arith.extui %sign3A_44 : i1 to i32
      %sign3A_46 = arith.constant 0 : i32
      %sign3A_47 = arith.cmpi slt, %jit3A, %sign3A_46 : i32
      %sign3A_48 = arith.extui %sign3A_47 : i1 to i32
      %sign3A_49 = arith.subi %sign3A_45, %sign3A_48 : i32
      %ne3A = arith.cmpi ne, %sign3A_42, %sign3A_49 : i32
      %rem3A = arith.remsi %scan3A_35, %jit3A : i32
      %ne3A_50 = arith.constant 0 : i32
      %ne3A_51 = arith.cmpi ne, %rem3A, %ne3A_50 : i32
      %and3A = arith.andi %ne3A, %ne3A_51 : i1
      %sub3A = arith.constant 1 : i32
      %sub3A_52 = arith.subi %div3A, %sub3A : i32
      %select_n3A = arith.select %and3A, %sub3A_52, %div3A : i32
      %jit3A_53 = arith.constant 640 : i32
      %eq3A = arith.constant 0 : i32
      %eq3A_54 = arith.cmpi eq, %jit3A_53, %eq3A : i32
      %jit3A_55 = arith.constant 1 : i32
      %select_n3A_56 = arith.select %eq3A_54, %jit3A_55, %jit3A_53 : i32
      %rem3A_57 = arith.remsi %scan3A_35, %select_n3A_56 : i32
      %ne3A_58 = arith.constant 0 : i32
      %ne3A_59 = arith.cmpi ne, %rem3A_57, %ne3A_58 : i32
      %lt3A = arith.constant 0 : i32
      %lt3A_60 = arith.cmpi slt, %rem3A_57, %lt3A : i32
      %lt3A_61 = arith.constant 0 : i32
      %lt3A_62 = arith.cmpi slt, %select_n3A_56, %lt3A_61 : i32
      %ne3A_63 = arith.xori %lt3A_60, %lt3A_62 : i1
      %and3A_64 = arith.andi %ne3A_63, %ne3A_59 : i1
      %add3A_65 = arith.addi %rem3A_57, %select_n3A_56 : i32
      %select_n3A_66 = arith.select %and3A_64, %add3A_65, %rem3A_57 : i32
      %broadcast_in_dim3A = arith.constant 0.000000e+00 : f32
      %broadcast_in_dim3A_67 = vector.broadcast %broadcast_in_dim3A : f32 to vector<16xf32>
      %mul3A_68 = arith.constant 16 : i32
      %mul3A_69 = arith.muli %select_n3A_66, %mul3A_68 : i32
      %swap3A = arith.index_cast %select_n3A : i32 to index
      %swap3A_70 = arith.index_cast %mul3A_69 : i32 to index
      %swap3A_71 = tpu.vector_load %arg6[%swap3A, %swap3A_70] {strides = array<i32>} : memref<8x10240xf32, #tpu.memory_space<vmem>>, vector<16xf32>,
      tpu.vector_store %arg6[%swap3A, %swap3A_70], %broadcast_in_dim3A_67 {strides = array<i32>} : memref<8x10240xf32, #tpu.memory_space<vmem>>, vector<16xf32>,
      %scan3A_72 = arith.constant 0 : i32
      scf.yield %scan3A_72 : i32
    }
    %scan3A_11 = arith.constant 5120 : i32
    %dma_wait3A = arith.constant 0 : i32
    %dma_wait3A_12 = tpu.memref_slice %arg3[%mul3A_2, %dma_wait3A] : memref<64x10240xi32, #tpu.memory_space<hbm>> -> memref<4x10240xi32, #tpu.memory_space<hbm>>
    %dma_wait3A_13 = arith.constant 0 : i32
    %dma_wait3A_14 = tpu.memref_slice %arg3[%mul3A_2, %dma_wait3A_13] : memref<64x10240xi32, #tpu.memory_space<hbm>> -> memref<4x10240xi32, #tpu.memory_space<hbm>>
    tpu.wait_dma2 semaphore(%arg9 : memref<!tpu.dma_semaphore, #tpu.memory_space<semaphore_mem>>) src(%dma_wait3A_14 : memref<4x10240xi32, #tpu.memory_space<hbm>>) dst(%arg5 : memref<4x10240xi32, #tpu.memory_space<vmem>>)
    %dma_start3A_15 = tpu.memref_slice %arg2[%mul3A_0] : memref<327680xi32, #tpu.memory_space<hbm>> -> memref<1024xi32, #tpu.memory_space<hbm>>
    %dma_start3A_16 = tpu.memref_slice %arg2[%mul3A_0] : memref<327680xi32, #tpu.memory_space<hbm>> -> memref<1024xi32, #tpu.memory_space<hbm>>
    tpu.enqueue_dma source(%dma_start3A_16 : memref<1024xi32, #tpu.memory_space<hbm>>) target(%arg7 : memref<1024xi32, #tpu.memory_space<vmem>>) target_semaphore(%arg10 : memref<!tpu.dma_semaphore, #tpu.memory_space<semaphore_mem>>)
    %scan3A_17 = arith.constant 0 : i32
    %scan3A_18 = arith.constant 0 : i32
    %scan3A_19 = arith.constant 80 : i32
    %scan3A_20 = arith.addi %scan3A_18, %scan3A_19 : i32
    %scan3A_21 = arith.constant 1 : i32
    %scan3A_22 = scf.for %scan3A_35 = %scan3A_18 to %scan3A_20 step %scan3A_21 iter_args(%scan3A_36 = %scan3A_17) -> (i32)  : i32 {
      %mul3A_37 = arith.constant 2 : i32
      %mul3A_38 = arith.muli %mul3A_37, %scan3A_35 : i32
      %add3A_39 = arith.constant 1 : i32
      %add3A_40 = arith.addi %mul3A_38, %add3A_39 : i32
      %mul3A_41 = arith.constant 1024 : i32
      %mul3A_42 = arith.muli %add3A_40, %mul3A_41 : i32
      %add3A_43 = arith.addi %mul3A_0, %mul3A_42 : i32
      %dma_start3A_44 = tpu.memref_slice %arg2[%add3A_43] : memref<327680xi32, #tpu.memory_space<hbm>> -> memref<1024xi32, #tpu.memory_space<hbm>>
      %dma_start3A_45 = tpu.memref_slice %arg2[%add3A_43] : memref<327680xi32, #tpu.memory_space<hbm>> -> memref<1024xi32, #tpu.memory_space<hbm>>
      tpu.enqueue_dma source(%dma_start3A_45 : memref<1024xi32, #tpu.memory_space<hbm>>) target(%arg8 : memref<1024xi32, #tpu.memory_space<vmem>>) target_semaphore(%arg11 : memref<!tpu.dma_semaphore, #tpu.memory_space<semaphore_mem>>)
      %dma_wait3A_46 = arith.constant 0 : i32
      %dma_wait3A_47 = tpu.memref_slice %arg2[%dma_wait3A_46] : memref<327680xi32, #tpu.memory_space<hbm>> -> memref<1024xi32, #tpu.memory_space<hbm>>
      %dma_wait3A_48 = arith.constant 0 : i32
      %dma_wait3A_49 = tpu.memref_slice %arg2[%dma_wait3A_48] : memref<327680xi32, #tpu.memory_space<hbm>> -> memref<1024xi32, #tpu.memory_space<hbm>>
      tpu.wait_dma2 semaphore(%arg10 : memref<!tpu.dma_semaphore, #tpu.memory_space<semaphore_mem>>) src(%dma_wait3A_49 : memref<1024xi32, #tpu.memory_space<hbm>>) dst(%arg7 : memref<1024xi32, #tpu.memory_space<vmem>>)
      %parallel_loop3A = arith.constant 0 : i32
      %parallel_loop3A_50 = arith.constant 64 : i32
      %parallel_loop3A_51 = arith.constant 1 : i32
      scf.for %parallel_loop3A_62 = %parallel_loop3A to %parallel_loop3A_50 step %parallel_loop3A_51  : i32 {
        %parallel_loop3A_63 = arith.constant 16 : i32
        %parallel_loop3A_64 = arith.muli %parallel_loop3A_62, %parallel_loop3A_63 : i32
        %parallel_loop3A_65 = arith.index_cast %parallel_loop3A_64 : i32 to index
        %parallel_loop3A_66 = tpu.vector_load %arg7[%parallel_loop3A_65] {strides = array<i32>} : memref<1024xi32, #tpu.memory_space<vmem>>, vector<16xi32>,
        %parallel_loop3A_67 = arith.constant 16383 : i32
        %parallel_loop3A_68 = vector.broadcast %parallel_loop3A_67 : i32 to vector<16xi32>
        %parallel_loop3A_69 = arith.andi %parallel_loop3A_66, %parallel_loop3A_68 : vector<16xi32>
        %parallel_loop3A_70 = arith.constant 14 : i32
        %parallel_loop3A_71 = vector.broadcast %parallel_loop3A_70 : i32 to vector<16xi32>
        %parallel_loop3A_72 = arith.shrui %parallel_loop3A_66, %parallel_loop3A_71 : vector<16xi32>
        %parallel_loop3A_73 = arith.constant 0 : i32
        %parallel_loop3A_74 = vector.broadcast %parallel_loop3A_73 : i32 to vector<16xi32>
        %parallel_loop3A_75 = tpu.vector_load_idx %arg5[%parallel_loop3A_74, %parallel_loop3A_69] : memref<4x10240xi32, #tpu.memory_space<vmem>>[vector<16xi32>, vector<16xi32>], vector<16xi32>,
        %parallel_loop3A_76 = arith.constant 16 : i32
        %parallel_loop3A_77 = vector.broadcast %parallel_loop3A_76 : i32 to vector<16xi32>
        %parallel_loop3A_78 = arith.shli %parallel_loop3A_75, %parallel_loop3A_77 : vector<16xi32>
        %parallel_loop3A_79 = vector.bitcast %parallel_loop3A_78 : vector<16xi32> to vector<16xf32>
        %parallel_loop3A_80 = arith.constant -65536 : i32
        %parallel_loop3A_81 = vector.broadcast %parallel_loop3A_80 : i32 to vector<16xi32>
        %parallel_loop3A_82 = arith.andi %parallel_loop3A_75, %parallel_loop3A_81 : vector<16xi32>
        %parallel_loop3A_83 = vector.bitcast %parallel_loop3A_82 : vector<16xi32> to vector<16xf32>
        %parallel_loop3A_84 = arith.constant 4 : i32
        %parallel_loop3A_85 = vector.broadcast %parallel_loop3A_84 : i32 to vector<16xi32>
        tpu.vector_store_idx %arg6[%parallel_loop3A_74, %parallel_loop3A_72], %parallel_loop3A_79 {add = true} : memref<8x10240xf32, #tpu.memory_space<vmem>>[vector<16xi32>, vector<16xi32>], vector<16xf32>,
        tpu.vector_store_idx %arg6[%parallel_loop3A_85, %parallel_loop3A_72], %parallel_loop3A_83 {add = true} : memref<8x10240xf32, #tpu.memory_space<vmem>>[vector<16xi32>, vector<16xi32>], vector<16xf32>,
        %parallel_loop3A_86 = arith.constant 1 : i32
        %parallel_loop3A_87 = vector.broadcast %parallel_loop3A_86 : i32 to vector<16xi32>
        %parallel_loop3A_88 = tpu.vector_load_idx %arg5[%parallel_loop3A_87, %parallel_loop3A_69] : memref<4x10240xi32, #tpu.memory_space<vmem>>[vector<16xi32>, vector<16xi32>], vector<16xi32>,
        %parallel_loop3A_89 = arith.constant 16 : i32
        %parallel_loop3A_90 = vector.broadcast %parallel_loop3A_89 : i32 to vector<16xi32>
        %parallel_loop3A_91 = arith.shli %parallel_loop3A_88, %parallel_loop3A_90 : vector<16xi32>
        %parallel_loop3A_92 = vector.bitcast %parallel_loop3A_91 : vector<16xi32> to vector<16xf32>
        %parallel_loop3A_93 = arith.constant -65536 : i32
        %parallel_loop3A_94 = vector.broadcast %parallel_loop3A_93 : i32 to vector<16xi32>
        %parallel_loop3A_95 = arith.andi %parallel_loop3A_88, %parallel_loop3A_94 : vector<16xi32>
        %parallel_loop3A_96 = vector.bitcast %parallel_loop3A_95 : vector<16xi32> to vector<16xf32>
        %parallel_loop3A_97 = arith.constant 5 : i32
        %parallel_loop3A_98 = vector.broadcast %parallel_loop3A_97 : i32 to vector<16xi32>
        tpu.vector_store_idx %arg6[%parallel_loop3A_87, %parallel_loop3A_72], %parallel_loop3A_92 {add = true} : memref<8x10240xf32, #tpu.memory_space<vmem>>[vector<16xi32>, vector<16xi32>], vector<16xf32>,
        tpu.vector_store_idx %arg6[%parallel_loop3A_98, %parallel_loop3A_72], %parallel_loop3A_96 {add = true} : memref<8x10240xf32, #tpu.memory_space<vmem>>[vector<16xi32>, vector<16xi32>], vector<16xf32>,
        %parallel_loop3A_99 = arith.constant 2 : i32
        %parallel_loop3A_100 = vector.broadcast %parallel_loop3A_99 : i32 to vector<16xi32>
        %parallel_loop3A_101 = tpu.vector_load_idx %arg5[%parallel_loop3A_100, %parallel_loop3A_69] : memref<4x10240xi32, #tpu.memory_space<vmem>>[vector<16xi32>, vector<16xi32>], vector<16xi32>,
        %parallel_loop3A_102 = arith.constant 16 : i32
        %parallel_loop3A_103 = vector.broadcast %parallel_loop3A_102 : i32 to vector<16xi32>
        %parallel_loop3A_104 = arith.shli %parallel_loop3A_101, %parallel_loop3A_103 : vector<16xi32>
        %parallel_loop3A_105 = vector.bitcast %parallel_loop3A_104 : vector<16xi32> to vector<16xf32>
        %parallel_loop3A_106 = arith.constant -65536 : i32
        %parallel_loop3A_107 = vector.broadcast %parallel_loop3A_106 : i32 to vector<16xi32>
        %parallel_loop3A_108 = arith.andi %parallel_loop3A_101, %parallel_loop3A_107 : vector<16xi32>
        %parallel_loop3A_109 = vector.bitcast %parallel_loop3A_108 : vector<16xi32> to vector<16xf32>
        %parallel_loop3A_110 = arith.constant 6 : i32
        %parallel_loop3A_111 = vector.broadcast %parallel_loop3A_110 : i32 to vector<16xi32>
        tpu.vector_store_idx %arg6[%parallel_loop3A_100, %parallel_loop3A_72], %parallel_loop3A_105 {add = true} : memref<8x10240xf32, #tpu.memory_space<vmem>>[vector<16xi32>, vector<16xi32>], vector<16xf32>,
        tpu.vector_store_idx %arg6[%parallel_loop3A_111, %parallel_loop3A_72], %parallel_loop3A_109 {add = true} : memref<8x10240xf32, #tpu.memory_space<vmem>>[vector<16xi32>, vector<16xi32>], vector<16xf32>,
        %parallel_loop3A_112 = arith.constant 3 : i32
        %parallel_loop3A_113 = vector.broadcast %parallel_loop3A_112 : i32 to vector<16xi32>
        %parallel_loop3A_114 = tpu.vector_load_idx %arg5[%parallel_loop3A_113, %parallel_loop3A_69] : memref<4x10240xi32, #tpu.memory_space<vmem>>[vector<16xi32>, vector<16xi32>], vector<16xi32>,
        %parallel_loop3A_115 = arith.constant 16 : i32
        %parallel_loop3A_116 = vector.broadcast %parallel_loop3A_115 : i32 to vector<16xi32>
        %parallel_loop3A_117 = arith.shli %parallel_loop3A_114, %parallel_loop3A_116 : vector<16xi32>
        %parallel_loop3A_118 = vector.bitcast %parallel_loop3A_117 : vector<16xi32> to vector<16xf32>
        %parallel_loop3A_119 = arith.constant -65536 : i32
        %parallel_loop3A_120 = vector.broadcast %parallel_loop3A_119 : i32 to vector<16xi32>
        %parallel_loop3A_121 = arith.andi %parallel_loop3A_114, %parallel_loop3A_120 : vector<16xi32>
        %parallel_loop3A_122 = vector.bitcast %parallel_loop3A_121 : vector<16xi32> to vector<16xf32>
        %parallel_loop3A_123 = arith.constant 7 : i32
        %parallel_loop3A_124 = vector.broadcast %parallel_loop3A_123 : i32 to vector<16xi32>
        tpu.vector_store_idx %arg6[%parallel_loop3A_113, %parallel_loop3A_72], %parallel_loop3A_118 {add = true} : memref<8x10240xf32, #tpu.memory_space<vmem>>[vector<16xi32>, vector<16xi32>], vector<16xf32>,
        tpu.vector_store_idx %arg6[%parallel_loop3A_124, %parallel_loop3A_72], %parallel_loop3A_122 {add = true} : memref<8x10240xf32, #tpu.memory_space<vmem>>[vector<16xi32>, vector<16xi32>], vector<16xf32>,
      } {sc.loop_unroll_factor = 4 : i64, sc.parallel_access}
      %lt3A = arith.constant 79 : i32
      %lt3A_52 = arith.cmpi slt, %scan3A_35, %lt3A : i32
      %convert_element_type3A = arith.extui %lt3A_52 : i1 to i32
      %cond3A = arith.constant 0 : i32
      %cond3A_53 = arith.cmpi ne, %convert_element_type3A, %cond3A : i32
      scf.if %cond3A_53 {
        %add3A_62 = arith.constant 2 : i32
        %add3A_63 = arith.addi %mul3A_38, %add3A_62 : i32
        %mul3A_64 = arith.constant 1024 : i32
        %mul3A_65 = arith.muli %add3A_63, %mul3A_64 : i32
        %add3A_66 = arith.addi %mul3A_0, %mul3A_65 : i32
        %dma_start3A_67 = tpu.memref_slice %arg2[%add3A_66] : memref<327680xi32, #tpu.memory_space<hbm>> -> memref<1024xi32, #tpu.memory_space<hbm>>
        %dma_start3A_68 = tpu.memref_slice %arg2[%add3A_66] : memref<327680xi32, #tpu.memory_space<hbm>> -> memref<1024xi32, #tpu.memory_space<hbm>>
        tpu.enqueue_dma source(%dma_start3A_68 : memref<1024xi32, #tpu.memory_space<hbm>>) target(%arg7 : memref<1024xi32, #tpu.memory_space<vmem>>) target_semaphore(%arg10 : memref<!tpu.dma_semaphore, #tpu.memory_space<semaphore_mem>>)
      } else {
      }
      %dma_wait3A_54 = arith.constant 0 : i32
      %dma_wait3A_55 = tpu.memref_slice %arg2[%dma_wait3A_54] : memref<327680xi32, #tpu.memory_space<hbm>> -> memref<1024xi32, #tpu.memory_space<hbm>>
      %dma_wait3A_56 = arith.constant 0 : i32
      %dma_wait3A_57 = tpu.memref_slice %arg2[%dma_wait3A_56] : memref<327680xi32, #tpu.memory_space<hbm>> -> memref<1024xi32, #tpu.memory_space<hbm>>
      tpu.wait_dma2 semaphore(%arg11 : memref<!tpu.dma_semaphore, #tpu.memory_space<semaphore_mem>>) src(%dma_wait3A_57 : memref<1024xi32, #tpu.memory_space<hbm>>) dst(%arg8 : memref<1024xi32, #tpu.memory_space<vmem>>)
      %parallel_loop3A_58 = arith.constant 0 : i32
      %parallel_loop3A_59 = arith.constant 64 : i32
      %parallel_loop3A_60 = arith.constant 1 : i32
      scf.for %parallel_loop3A_62 = %parallel_loop3A_58 to %parallel_loop3A_59 step %parallel_loop3A_60  : i32 {
        %parallel_loop3A_63 = arith.constant 16 : i32
        %parallel_loop3A_64 = arith.muli %parallel_loop3A_62, %parallel_loop3A_63 : i32
        %parallel_loop3A_65 = arith.index_cast %parallel_loop3A_64 : i32 to index
        %parallel_loop3A_66 = tpu.vector_load %arg8[%parallel_loop3A_65] {strides = array<i32>} : memref<1024xi32, #tpu.memory_space<vmem>>, vector<16xi32>,
        %parallel_loop3A_67 = arith.constant 16383 : i32
        %parallel_loop3A_68 = vector.broadcast %parallel_loop3A_67 : i32 to vector<16xi32>
        %parallel_loop3A_69 = arith.andi %parallel_loop3A_66, %parallel_loop3A_68 : vector<16xi32>
        %parallel_loop3A_70 = arith.constant 14 : i32
        %parallel_loop3A_71 = vector.broadcast %parallel_loop3A_70 : i32 to vector<16xi32>
        %parallel_loop3A_72 = arith.shrui %parallel_loop3A_66, %parallel_loop3A_71 : vector<16xi32>
        %parallel_loop3A_73 = arith.constant 0 : i32
        %parallel_loop3A_74 = vector.broadcast %parallel_loop3A_73 : i32 to vector<16xi32>
        %parallel_loop3A_75 = tpu.vector_load_idx %arg5[%parallel_loop3A_74, %parallel_loop3A_69] : memref<4x10240xi32, #tpu.memory_space<vmem>>[vector<16xi32>, vector<16xi32>], vector<16xi32>,
        %parallel_loop3A_76 = arith.constant 16 : i32
        %parallel_loop3A_77 = vector.broadcast %parallel_loop3A_76 : i32 to vector<16xi32>
        %parallel_loop3A_78 = arith.shli %parallel_loop3A_75, %parallel_loop3A_77 : vector<16xi32>
        %parallel_loop3A_79 = vector.bitcast %parallel_loop3A_78 : vector<16xi32> to vector<16xf32>
        %parallel_loop3A_80 = arith.constant -65536 : i32
        %parallel_loop3A_81 = vector.broadcast %parallel_loop3A_80 : i32 to vector<16xi32>
        %parallel_loop3A_82 = arith.andi %parallel_loop3A_75, %parallel_loop3A_81 : vector<16xi32>
        %parallel_loop3A_83 = vector.bitcast %parallel_loop3A_82 : vector<16xi32> to vector<16xf32>
        %parallel_loop3A_84 = arith.constant 4 : i32
        %parallel_loop3A_85 = vector.broadcast %parallel_loop3A_84 : i32 to vector<16xi32>
        tpu.vector_store_idx %arg6[%parallel_loop3A_74, %parallel_loop3A_72], %parallel_loop3A_79 {add = true} : memref<8x10240xf32, #tpu.memory_space<vmem>>[vector<16xi32>, vector<16xi32>], vector<16xf32>,
        tpu.vector_store_idx %arg6[%parallel_loop3A_85, %parallel_loop3A_72], %parallel_loop3A_83 {add = true} : memref<8x10240xf32, #tpu.memory_space<vmem>>[vector<16xi32>, vector<16xi32>], vector<16xf32>,
        %parallel_loop3A_86 = arith.constant 1 : i32
        %parallel_loop3A_87 = vector.broadcast %parallel_loop3A_86 : i32 to vector<16xi32>
        %parallel_loop3A_88 = tpu.vector_load_idx %arg5[%parallel_loop3A_87, %parallel_loop3A_69] : memref<4x10240xi32, #tpu.memory_space<vmem>>[vector<16xi32>, vector<16xi32>], vector<16xi32>,
        %parallel_loop3A_89 = arith.constant 16 : i32
        %parallel_loop3A_90 = vector.broadcast %parallel_loop3A_89 : i32 to vector<16xi32>
        %parallel_loop3A_91 = arith.shli %parallel_loop3A_88, %parallel_loop3A_90 : vector<16xi32>
        %parallel_loop3A_92 = vector.bitcast %parallel_loop3A_91 : vector<16xi32> to vector<16xf32>
        %parallel_loop3A_93 = arith.constant -65536 : i32
        %parallel_loop3A_94 = vector.broadcast %parallel_loop3A_93 : i32 to vector<16xi32>
        %parallel_loop3A_95 = arith.andi %parallel_loop3A_88, %parallel_loop3A_94 : vector<16xi32>
        %parallel_loop3A_96 = vector.bitcast %parallel_loop3A_95 : vector<16xi32> to vector<16xf32>
        %parallel_loop3A_97 = arith.constant 5 : i32
        %parallel_loop3A_98 = vector.broadcast %parallel_loop3A_97 : i32 to vector<16xi32>
        tpu.vector_store_idx %arg6[%parallel_loop3A_87, %parallel_loop3A_72], %parallel_loop3A_92 {add = true} : memref<8x10240xf32, #tpu.memory_space<vmem>>[vector<16xi32>, vector<16xi32>], vector<16xf32>,
        tpu.vector_store_idx %arg6[%parallel_loop3A_98, %parallel_loop3A_72], %parallel_loop3A_96 {add = true} : memref<8x10240xf32, #tpu.memory_space<vmem>>[vector<16xi32>, vector<16xi32>], vector<16xf32>,
        %parallel_loop3A_99 = arith.constant 2 : i32
        %parallel_loop3A_100 = vector.broadcast %parallel_loop3A_99 : i32 to vector<16xi32>
        %parallel_loop3A_101 = tpu.vector_load_idx %arg5[%parallel_loop3A_100, %parallel_loop3A_69] : memref<4x10240xi32, #tpu.memory_space<vmem>>[vector<16xi32>, vector<16xi32>], vector<16xi32>,
        %parallel_loop3A_102 = arith.constant 16 : i32
        %parallel_loop3A_103 = vector.broadcast %parallel_loop3A_102 : i32 to vector<16xi32>
        %parallel_loop3A_104 = arith.shli %parallel_loop3A_101, %parallel_loop3A_103 : vector<16xi32>
        %parallel_loop3A_105 = vector.bitcast %parallel_loop3A_104 : vector<16xi32> to vector<16xf32>
        %parallel_loop3A_106 = arith.constant -65536 : i32
        %parallel_loop3A_107 = vector.broadcast %parallel_loop3A_106 : i32 to vector<16xi32>
        %parallel_loop3A_108 = arith.andi %parallel_loop3A_101, %parallel_loop3A_107 : vector<16xi32>
        %parallel_loop3A_109 = vector.bitcast %parallel_loop3A_108 : vector<16xi32> to vector<16xf32>
        %parallel_loop3A_110 = arith.constant 6 : i32
        %parallel_loop3A_111 = vector.broadcast %parallel_loop3A_110 : i32 to vector<16xi32>
        tpu.vector_store_idx %arg6[%parallel_loop3A_100, %parallel_loop3A_72], %parallel_loop3A_105 {add = true} : memref<8x10240xf32, #tpu.memory_space<vmem>>[vector<16xi32>, vector<16xi32>], vector<16xf32>,
        tpu.vector_store_idx %arg6[%parallel_loop3A_111, %parallel_loop3A_72], %parallel_loop3A_109 {add = true} : memref<8x10240xf32, #tpu.memory_space<vmem>>[vector<16xi32>, vector<16xi32>], vector<16xf32>,
        %parallel_loop3A_112 = arith.constant 3 : i32
        %parallel_loop3A_113 = vector.broadcast %parallel_loop3A_112 : i32 to vector<16xi32>
        %parallel_loop3A_114 = tpu.vector_load_idx %arg5[%parallel_loop3A_113, %parallel_loop3A_69] : memref<4x10240xi32, #tpu.memory_space<vmem>>[vector<16xi32>, vector<16xi32>], vector<16xi32>,
        %parallel_loop3A_115 = arith.constant 16 : i32
        %parallel_loop3A_116 = vector.broadcast %parallel_loop3A_115 : i32 to vector<16xi32>
        %parallel_loop3A_117 = arith.shli %parallel_loop3A_114, %parallel_loop3A_116 : vector<16xi32>
        %parallel_loop3A_118 = vector.bitcast %parallel_loop3A_117 : vector<16xi32> to vector<16xf32>
        %parallel_loop3A_119 = arith.constant -65536 : i32
        %parallel_loop3A_120 = vector.broadcast %parallel_loop3A_119 : i32 to vector<16xi32>
        %parallel_loop3A_121 = arith.andi %parallel_loop3A_114, %parallel_loop3A_120 : vector<16xi32>
        %parallel_loop3A_122 = vector.bitcast %parallel_loop3A_121 : vector<16xi32> to vector<16xf32>
        %parallel_loop3A_123 = arith.constant 7 : i32
        %parallel_loop3A_124 = vector.broadcast %parallel_loop3A_123 : i32 to vector<16xi32>
        tpu.vector_store_idx %arg6[%parallel_loop3A_113, %parallel_loop3A_72], %parallel_loop3A_118 {add = true} : memref<8x10240xf32, #tpu.memory_space<vmem>>[vector<16xi32>, vector<16xi32>], vector<16xf32>,
        tpu.vector_store_idx %arg6[%parallel_loop3A_124, %parallel_loop3A_72], %parallel_loop3A_122 {add = true} : memref<8x10240xf32, #tpu.memory_space<vmem>>[vector<16xi32>, vector<16xi32>], vector<16xf32>,
      } {sc.loop_unroll_factor = 4 : i64, sc.parallel_access}
      %scan3A_61 = arith.constant 0 : i32
      scf.yield %scan3A_61 : i32
    }
    %scan3A_23 = arith.constant 80 : i32
    %mul3A_24 = arith.constant 128 : i32
    %mul3A_25 = arith.muli %arg0, %mul3A_24 : i32
    %mul3A_26 = arith.constant 4 : i32
    %mul3A_27 = arith.muli %arg1, %mul3A_26 : i32
    %add3A = arith.addi %mul3A_25, %mul3A_27 : i32
    "tpu.region"() ({
      %run_scoped3A = tpu.sem_alloc : memref<!tpu.dma_semaphore, #tpu.memory_space<semaphore_mem>>
      %dma_start3A_35 = arith.constant 0 : i32
      %dma_start3A_36 = arith.constant 0 : i32
      %dma_start3A_37 = tpu.memref_slice %arg6[%dma_start3A_35, %dma_start3A_36] : memref<8x10240xf32, #tpu.memory_space<vmem>> -> memref<4x10240xf32, #tpu.memory_space<vmem>>
      %dma_start3A_38 = arith.constant 0 : i32
      %dma_start3A_39 = tpu.memref_slice %arg4[%add3A, %dma_start3A_38] : memref<256x10240xf32, #tpu.memory_space<hbm>> -> memref<4x10240xf32, #tpu.memory_space<hbm>>
      %dma_start3A_40 = arith.constant 0 : i32
      %dma_start3A_41 = tpu.memref_slice %arg4[%add3A, %dma_start3A_40] : memref<256x10240xf32, #tpu.memory_space<hbm>> -> memref<4x10240xf32, #tpu.memory_space<hbm>>
      %dma_start3A_42 = arith.constant 0 : i32
      %dma_start3A_43 = arith.constant 0 : i32
      %dma_start3A_44 = tpu.memref_slice %arg6[%dma_start3A_42, %dma_start3A_43] : memref<8x10240xf32, #tpu.memory_space<vmem>> -> memref<4x10240xf32, #tpu.memory_space<vmem>>
      tpu.enqueue_dma source(%dma_start3A_44 : memref<4x10240xf32, #tpu.memory_space<vmem>>) target(%dma_start3A_41 : memref<4x10240xf32, #tpu.memory_space<hbm>>) target_semaphore(%run_scoped3A : memref<!tpu.dma_semaphore, #tpu.memory_space<semaphore_mem>>)
      %dma_wait3A_45 = arith.constant 0 : i32
      %dma_wait3A_46 = arith.constant 0 : i32
      %dma_wait3A_47 = tpu.memref_slice %arg6[%dma_wait3A_45, %dma_wait3A_46] : memref<8x10240xf32, #tpu.memory_space<vmem>> -> memref<4x10240xf32, #tpu.memory_space<vmem>>
      %dma_wait3A_48 = arith.constant 0 : i32
      %dma_wait3A_49 = tpu.memref_slice %arg4[%add3A, %dma_wait3A_48] : memref<256x10240xf32, #tpu.memory_space<hbm>> -> memref<4x10240xf32, #tpu.memory_space<hbm>>
      %dma_wait3A_50 = arith.constant 0 : i32
      %dma_wait3A_51 = tpu.memref_slice %arg4[%add3A, %dma_wait3A_50] : memref<256x10240xf32, #tpu.memory_space<hbm>> -> memref<4x10240xf32, #tpu.memory_space<hbm>>
      %dma_wait3A_52 = arith.constant 0 : i32
      %dma_wait3A_53 = arith.constant 0 : i32
      %dma_wait3A_54 = tpu.memref_slice %arg6[%dma_wait3A_52, %dma_wait3A_53] : memref<8x10240xf32, #tpu.memory_space<vmem>> -> memref<4x10240xf32, #tpu.memory_space<vmem>>
      tpu.wait_dma2 semaphore(%run_scoped3A : memref<!tpu.dma_semaphore, #tpu.memory_space<semaphore_mem>>) src(%dma_wait3A_54 : memref<4x10240xf32, #tpu.memory_space<vmem>>) dst(%dma_wait3A_51 : memref<4x10240xf32, #tpu.memory_space<hbm>>)
      tpu.yield
    }) : () -> ()
    %mul3A_28 = arith.constant 128 : i32
    %mul3A_29 = arith.muli %arg0, %mul3A_28 : i32
    %add3A_30 = arith.constant 64 : i32
    %add3A_31 = arith.addi %mul3A_29, %add3A_30 : i32
    %mul3A_32 = arith.constant 4 : i32
    %mul3A_33 = arith.muli %arg1, %mul3A_32 : i32
    %add3A_34 = arith.addi %add3A_31, %mul3A_33 : i32
    "tpu.region"() ({
      %run_scoped3A = tpu.sem_alloc : memref<!tpu.dma_semaphore, #tpu.memory_space<semaphore_mem>>
      %dma_start3A_35 = arith.constant 4 : i32
      %dma_start3A_36 = arith.constant 0 : i32
      %dma_start3A_37 = tpu.memref_slice %arg6[%dma_start3A_35, %dma_start3A_36] : memref<8x10240xf32, #tpu.memory_space<vmem>> -> memref<4x10240xf32, #tpu.memory_space<vmem>>
      %dma_start3A_38 = arith.constant 0 : i32
      %dma_start3A_39 = tpu.memref_slice %arg4[%add3A_34, %dma_start3A_38] : memref<256x10240xf32, #tpu.memory_space<hbm>> -> memref<4x10240xf32, #tpu.memory_space<hbm>>
      %dma_start3A_40 = arith.constant 0 : i32
      %dma_start3A_41 = tpu.memref_slice %arg4[%add3A_34, %dma_start3A_40] : memref<256x10240xf32, #tpu.memory_space<hbm>> -> memref<4x10240xf32, #tpu.memory_space<hbm>>
      %dma_start3A_42 = arith.constant 4 : i32
      %dma_start3A_43 = arith.constant 0 : i32
      %dma_start3A_44 = tpu.memref_slice %arg6[%dma_start3A_42, %dma_start3A_43] : memref<8x10240xf32, #tpu.memory_space<vmem>> -> memref<4x10240xf32, #tpu.memory_space<vmem>>
      tpu.enqueue_dma source(%dma_start3A_44 : memref<4x10240xf32, #tpu.memory_space<vmem>>) target(%dma_start3A_41 : memref<4x10240xf32, #tpu.memory_space<hbm>>) target_semaphore(%run_scoped3A : memref<!tpu.dma_semaphore, #tpu.memory_space<semaphore_mem>>)
      %dma_wait3A_45 = arith.constant 4 : i32
      %dma_wait3A_46 = arith.constant 0 : i32
      %dma_wait3A_47 = tpu.memref_slice %arg6[%dma_wait3A_45, %dma_wait3A_46] : memref<8x10240xf32, #tpu.memory_space<vmem>> -> memref<4x10240xf32, #tpu.memory_space<vmem>>
      %dma_wait3A_48 = arith.constant 0 : i32
      %dma_wait3A_49 = tpu.memref_slice %arg4[%add3A_34, %dma_wait3A_48] : memref<256x10240xf32, #tpu.memory_space<hbm>> -> memref<4x10240xf32, #tpu.memory_space<hbm>>
      %dma_wait3A_50 = arith.constant 0 : i32
      %dma_wait3A_51 = tpu.memref_slice %arg4[%add3A_34, %dma_wait3A_50] : memref<256x10240xf32, #tpu.memory_space<hbm>> -> memref<4x10240xf32, #tpu.memory_space<hbm>>
      %dma_wait3A_52 = arith.constant 4 : i32
      %dma_wait3A_53 = arith.constant 0 : i32
      %dma_wait3A_54 = tpu.memref_slice %arg6[%dma_wait3A_52, %dma_wait3A_53] : memref<8x10240xf32, #tpu.memory_space<vmem>> -> memref<4x10240xf32, #tpu.memory_space<vmem>>
      tpu.wait_dma2 semaphore(%run_scoped3A : memref<!tpu.dma_semaphore, #tpu.memory_space<semaphore_mem>>) src(%dma_wait3A_54 : memref<4x10240xf32, #tpu.memory_space<vmem>>) dst(%dma_wait3A_51 : memref<4x10240xf32, #tpu.memory_space<hbm>>)
      tpu.yield
    }) : () -> ()
    return
  }
}

module attributes {stable_mosaic.version = 14 : i64} {
  func.func @_tc_b(%arg0: i32, %arg1: memref<1x1024xf32, #tpu.memory_space<vmem>>, %arg2: memref<1x1024xf32, #tpu.memory_space<vmem>>, %arg3: memref<1024x128xf32, #tpu.memory_space<vmem>>, %arg4: memref<128x128xf32, #tpu.memory_space<vmem>>, %arg5: memref<128x1024xf32, #tpu.memory_space<vmem>>, %arg6: memref<64x1024xi32, #tpu.memory_space<vmem>>, %arg7: memref<1x1024xf32, #tpu.memory_space<vmem>>) attributes {dimension_semantics = [#tpu.dimension_semantics<arbitrary>], iteration_bounds = array<i64: 10>, scalar_prefetch = 0 : i64, scratch_operands = 0 : i64, tpu.core_type = #tpu.core_type<tc>, window_params = [{transform_indices = @transform_0, window_bounds = array<i64: 1, 1024>}, {transform_indices = @transform_1, window_bounds = array<i64: 1, 1024>}, {transform_indices = @transform_2, window_bounds = array<i64: 1024, 128>}, {pipeline_mode = #tpu.pipeline_mode<synchronous>, transform_indices = @transform_3, window_bounds = array<i64: 128, 128>}, {transform_indices = @transform_4, window_bounds = array<i64: 128, 1024>}, {transform_indices = @transform_5, window_bounds = array<i64: 64, 1024>}, {transform_indices = @transform_6, window_bounds = array<i64: 1, 1024>}]} {
    %get3A = arith.constant 0 : index
    %get3A_0 = arith.constant 0 : index
    %get3A_1 = vector.load %arg1[%get3A, %get3A_0] : memref<1x1024xf32, #tpu.memory_space<vmem>>, vector<1x1024xf32>
    %get3A_2 = arith.constant 0 : index
    %get3A_3 = arith.constant 0 : index
    %get3A_4 = vector.load %arg2[%get3A_2, %get3A_3] : memref<1x1024xf32, #tpu.memory_space<vmem>>, vector<1x1024xf32>
    %add3A = arith.addf %get3A_1, %get3A_4 : vector<1x1024xf32>
    %add3A_5 = arith.constant 1.000000e+00 : f32
    %add3A_6 = vector.broadcast %add3A_5 : f32 to vector<1x1024xf32>
    %add3A_7 = arith.addf %add3A, %add3A_6 : vector<1x1024xf32>
    %rsqrt3A = math.rsqrt %add3A_7 : vector<1x1024xf32>
    %get3A_8 = arith.constant 0 : index
    %get3A_9 = arith.constant 0 : index
    %get3A_10 = vector.load %arg4[%get3A_8, %get3A_9] : memref<128x128xf32, #tpu.memory_space<vmem>>, vector<128x128xf32>
    %get3A_11 = arith.constant 0 : index
    %get3A_12 = arith.constant 0 : index
    %get3A_13 = vector.load %arg3[%get3A_11, %get3A_12] : memref<1024x128xf32, #tpu.memory_space<vmem>>, vector<1024x128xf32>
    %dot_general3A = arith.constant dense<0.000000e+00> : vector<128x1024xf32>
    %dot_general3A_14 = tpu.matmul %get3A_10, %get3A_13, %dot_general3A {dimension_numbers = #tpu.dot_dimension_numbers<[0], [1], [1], [0], [0, 1, 1, 0], [], []>, transpose_lhs_hint = false} : vector<128x128xf32>, vector<1024x128xf32>, vector<128x1024xf32> -> vector<128x1024xf32>
    %mul3A = vector.broadcast %rsqrt3A : vector<1x1024xf32> to vector<128x1024xf32>
    %mul3A_15 = arith.mulf %dot_general3A_14, %mul3A : vector<128x1024xf32>
    %swap3A = arith.constant 0 : index
    %swap3A_16 = arith.constant 0 : index
    %swap3A_17 = vector.load %arg5[%swap3A, %swap3A_16] : memref<128x1024xf32, #tpu.memory_space<vmem>>, vector<128x1024xf32>
    tpu.vector_store %arg5[%swap3A, %swap3A_16], %mul3A_15 {strides = array<i32>} : memref<128x1024xf32, #tpu.memory_space<vmem>>, vector<128x1024xf32>,
    %swap3A_18 = arith.constant 0 : index
    %swap3A_19 = arith.constant 0 : index
    %swap3A_20 = vector.load %arg7[%swap3A_18, %swap3A_19] : memref<1x1024xf32, #tpu.memory_space<vmem>>, vector<1x1024xf32>
    tpu.vector_store %arg7[%swap3A_18, %swap3A_19], %rsqrt3A {strides = array<i32>} : memref<1x1024xf32, #tpu.memory_space<vmem>>, vector<1x1024xf32>,
    %slice3A = vector.extract_strided_slice %mul3A_15 {offsets = [0, 0], sizes = [64, 1024], strides = [1, 1]} : vector<128x1024xf32> to vector<64x1024xf32>
    %convert_element_type3A = arith.truncf %slice3A : vector<64x1024xf32> to vector<64x1024xbf16>
    %bitcast_convert_type3A = tpu.bitcast %convert_element_type3A : vector<64x1024xbf16> -> vector<64x1024xi16>
    %convert_element_type3A_21 = arith.extui %bitcast_convert_type3A : vector<64x1024xi16> to vector<64x1024xi32>
    %slice3A_22 = vector.extract_strided_slice %mul3A_15 {offsets = [64, 0], sizes = [64, 1024], strides = [1, 1]} : vector<128x1024xf32> to vector<64x1024xf32>
    %convert_element_type3A_23 = arith.truncf %slice3A_22 : vector<64x1024xf32> to vector<64x1024xbf16>
    %bitcast_convert_type3A_24 = tpu.bitcast %convert_element_type3A_23 : vector<64x1024xbf16> -> vector<64x1024xi16>
    %convert_element_type3A_25 = arith.extui %bitcast_convert_type3A_24 : vector<64x1024xi16> to vector<64x1024xi32>
    %shift_left3A = arith.constant 16 : i32
    %shift_left3A_26 = vector.broadcast %shift_left3A : i32 to vector<64x1024xi32>
    %shift_left3A_27 = arith.shli %convert_element_type3A_25, %shift_left3A_26 : vector<64x1024xi32>
    %or3A = arith.ori %shift_left3A_27, %convert_element_type3A_21 : vector<64x1024xi32>
    %bitcast_convert_type3A_28 = tpu.bitcast %or3A : vector<64x1024xi32> -> vector<64x1024xi32>
    %swap3A_29 = arith.constant 0 : index
    %swap3A_30 = arith.constant 0 : index
    %swap3A_31 = vector.load %arg6[%swap3A_29, %swap3A_30] : memref<64x1024xi32, #tpu.memory_space<vmem>>, vector<64x1024xi32>
    tpu.vector_store %arg6[%swap3A_29, %swap3A_30], %bitcast_convert_type3A_28 {strides = array<i32>} : memref<64x1024xi32, #tpu.memory_space<vmem>>, vector<64x1024xi32>,
    return
  }
  func.func @transform_0(%arg0: i32) -> (i32, i32) {
    %c0_i32 = arith.constant 0 : i32
    %c0_i32_0 = arith.constant 0 : i32
    return %c0_i32, %arg0 : i32, i32
  }
  func.func @transform_1(%arg0: i32) -> (i32, i32) {
    %c0_i32 = arith.constant 0 : i32
    %c0_i32_0 = arith.constant 0 : i32
    return %c0_i32, %arg0 : i32, i32
  }
  func.func @transform_2(%arg0: i32) -> (i32, i32) {
    %c0_i32 = arith.constant 0 : i32
    %c0_i32_0 = arith.constant 0 : i32
    return %arg0, %c0_i32 : i32, i32
  }
  func.func @transform_3(%arg0: i32) -> (i32, i32) {
    %c0_i32 = arith.constant 0 : i32
    %c0_i32_0 = arith.constant 0 : i32
    %c0_i32_1 = arith.constant 0 : i32
    return %c0_i32, %c0_i32_0 : i32, i32
  }
  func.func @transform_4(%arg0: i32) -> (i32, i32) {
    %c0_i32 = arith.constant 0 : i32
    %c0_i32_0 = arith.constant 0 : i32
    return %c0_i32, %arg0 : i32, i32
  }
  func.func @transform_5(%arg0: i32) -> (i32, i32) {
    %c0_i32 = arith.constant 0 : i32
    %c0_i32_0 = arith.constant 0 : i32
    return %c0_i32, %arg0 : i32, i32
  }
  func.func @transform_6(%arg0: i32) -> (i32, i32) {
    %c0_i32 = arith.constant 0 : i32
    %c0_i32_0 = arith.constant 0 : i32
    return %c0_i32, %arg0 : i32, i32
  }
}

module attributes {stable_mosaic.version = 14 : i64} {
  func.func @_tc_d(%arg0: i32, %arg1: memref<128x1024xf32, #tpu.memory_space<vmem>>, %arg2: memref<128x1024xf32, #tpu.memory_space<vmem>>, %arg3: memref<128x1024xf32, #tpu.memory_space<vmem>>, %arg4: memref<1x1024xf32, #tpu.memory_space<vmem>>, %arg5: memref<128x1xf32, #tpu.memory_space<vmem>>, %arg6: memref<128x8xf32, #tpu.memory_space<vmem>>, %arg7: memref<8x1024xf32, #tpu.memory_space<vmem>>) attributes {dimension_semantics = [#tpu.dimension_semantics<arbitrary>], iteration_bounds = array<i64: 10>, scalar_prefetch = 0 : i64, scratch_operands = 0 : i64, tpu.core_type = #tpu.core_type<tc>, window_params = [{transform_indices = @transform_0, window_bounds = array<i64: 128, 1024>}, {transform_indices = @transform_1, window_bounds = array<i64: 128, 1024>}, {transform_indices = @transform_2, window_bounds = array<i64: 128, 1024>}, {transform_indices = @transform_3, window_bounds = array<i64: 1, 1024>}, {pipeline_mode = #tpu.pipeline_mode<synchronous>, transform_indices = @transform_4, window_bounds = array<i64: 128, 1>}, {pipeline_mode = #tpu.pipeline_mode<synchronous>, transform_indices = @transform_5, window_bounds = array<i64: 128, 8>}, {transform_indices = @transform_6, window_bounds = array<i64: 8, 1024>}]} {
    %get3A = arith.constant 0 : index
    %get3A_0 = arith.constant 0 : index
    %get3A_1 = vector.load %arg4[%get3A, %get3A_0] : memref<1x1024xf32, #tpu.memory_space<vmem>>, vector<1x1024xf32>
    %get3A_2 = arith.constant 0 : index
    %get3A_3 = arith.constant 0 : index
    %get3A_4 = vector.load %arg1[%get3A_2, %get3A_3] : memref<128x1024xf32, #tpu.memory_space<vmem>>, vector<128x1024xf32>
    %get3A_5 = arith.constant 0 : index
    %get3A_6 = arith.constant 0 : index
    %get3A_7 = vector.load %arg2[%get3A_5, %get3A_6] : memref<128x1024xf32, #tpu.memory_space<vmem>>, vector<128x1024xf32>
    %add3A = arith.addf %get3A_4, %get3A_7 : vector<128x1024xf32>
    %get3A_8 = arith.constant 0 : index
    %get3A_9 = arith.constant 0 : index
    %get3A_10 = vector.load %arg3[%get3A_8, %get3A_9] : memref<128x1024xf32, #tpu.memory_space<vmem>>, vector<128x1024xf32>
    %add3A_11 = arith.addf %add3A, %get3A_10 : vector<128x1024xf32>
    %mul3A = vector.broadcast %get3A_1 : vector<1x1024xf32> to vector<128x1024xf32>
    %mul3A_12 = arith.mulf %add3A_11, %mul3A : vector<128x1024xf32>
    %get3A_13 = arith.constant 0 : index
    %get3A_14 = arith.constant 0 : index
    %get3A_15 = vector.load %arg5[%get3A_13, %get3A_14] : memref<128x1xf32, #tpu.memory_space<vmem>>, vector<128x1xf32>
    %add3A_16 = vector.broadcast %get3A_15 : vector<128x1xf32> to vector<128x1024xf32>
    %add3A_17 = arith.addf %mul3A_12, %add3A_16 : vector<128x1024xf32>
    %max3A = arith.constant 0.000000e+00 : f32
    %max3A_18 = vector.broadcast %max3A : f32 to vector<128x1024xf32>
    %max3A_19 = arith.maximumf %add3A_17, %max3A_18 : vector<128x1024xf32>
    %get3A_20 = arith.constant 0 : index
    %get3A_21 = arith.constant 0 : index
    %get3A_22 = vector.load %arg6[%get3A_20, %get3A_21] : memref<128x8xf32, #tpu.memory_space<vmem>>, vector<128x8xf32>
    %dot_general3A = arith.constant dense<0.000000e+00> : vector<8x1024xf32>
    %dot_general3A_23 = tpu.matmul %get3A_22, %max3A_19, %dot_general3A {dimension_numbers = #tpu.dot_dimension_numbers<[0], [0], [1], [1], [0, 1, 1, 1], [], []>, transpose_lhs_hint = false} : vector<128x8xf32>, vector<128x1024xf32>, vector<8x1024xf32> -> vector<8x1024xf32>
    %iota3A = tpu.iota {dimensions = array<i32: 1>} : vector<1x1024xi32>
    %mul3A_24 = arith.constant 1024 : i32
    %mul3A_25 = arith.muli %arg0, %mul3A_24 : i32
    %add3A_26 = vector.broadcast %mul3A_25 : i32 to vector<1x1024xi32>
    %add3A_27 = arith.addi %iota3A, %add3A_26 : vector<1x1024xi32>
    %lt3A = arith.constant 10000 : i32
    %lt3A_28 = vector.broadcast %lt3A : i32 to vector<1x1024xi32>
    %lt3A_29 = arith.cmpi slt, %add3A_27, %lt3A_28 : vector<1x1024xi32>
    %mul3A_30 = vector.broadcast %get3A_1 : vector<1x1024xf32> to vector<8x1024xf32>
    %mul3A_31 = arith.mulf %dot_general3A_23, %mul3A_30 : vector<8x1024xf32>
    %jit3A = arith.constant 0.000000e+00 : f32
    %broadcast_in_dim3A = vector.shape_cast %lt3A_29 : vector<1x1024xi1> to vector<1x1024xi1>
    %broadcast_in_dim3A_32 = vector.broadcast %broadcast_in_dim3A : vector<1x1024xi1> to vector<8x1024xi1>
    %broadcast_in_dim3A_33 = vector.broadcast %jit3A : f32 to vector<8x1024xf32>
    %select_n3A = arith.select %broadcast_in_dim3A_32, %mul3A_31, %broadcast_in_dim3A_33 : vector<8x1024xi1>, vector<8x1024xf32>
    %swap3A = arith.constant 0 : index
    %swap3A_34 = arith.constant 0 : index
    %swap3A_35 = vector.load %arg7[%swap3A, %swap3A_34] : memref<8x1024xf32, #tpu.memory_space<vmem>>, vector<8x1024xf32>
    tpu.vector_store %arg7[%swap3A, %swap3A_34], %select_n3A {strides = array<i32>} : memref<8x1024xf32, #tpu.memory_space<vmem>>, vector<8x1024xf32>,
    return
  }
  func.func @transform_0(%arg0: i32) -> (i32, i32) {
    %c0_i32 = arith.constant 0 : i32
    %c0_i32_0 = arith.constant 0 : i32
    return %c0_i32, %arg0 : i32, i32
  }
  func.func @transform_1(%arg0: i32) -> (i32, i32) {
    %c0_i32 = arith.constant 0 : i32
    %c0_i32_0 = arith.constant 0 : i32
    return %c0_i32, %arg0 : i32, i32
  }
  func.func @transform_2(%arg0: i32) -> (i32, i32) {
    %c0_i32 = arith.constant 0 : i32
    %c0_i32_0 = arith.constant 0 : i32
    return %c0_i32, %arg0 : i32, i32
  }
  func.func @transform_3(%arg0: i32) -> (i32, i32) {
    %c0_i32 = arith.constant 0 : i32
    %c0_i32_0 = arith.constant 0 : i32
    return %c0_i32, %arg0 : i32, i32
  }
  func.func @transform_4(%arg0: i32) -> (i32, i32) {
    %c0_i32 = arith.constant 0 : i32
    %c0_i32_0 = arith.constant 0 : i32
    %c0_i32_1 = arith.constant 0 : i32
    return %c0_i32, %c0_i32_0 : i32, i32
  }
  func.func @transform_5(%arg0: i32) -> (i32, i32) {
    %c0_i32 = arith.constant 0 : i32
    %c0_i32_0 = arith.constant 0 : i32
    %c0_i32_1 = arith.constant 0 : i32
    return %c0_i32, %c0_i32_0 : i32, i32
  }
  func.func @transform_6(%arg0: i32) -> (i32, i32) {
    %c0_i32 = arith.constant 0 : i32
    %c0_i32_0 = arith.constant 0 : i32
    return %c0_i32, %arg0 : i32, i32
  }
}

module attributes {stable_mosaic.version = 14 : i64} {
  func.func @_tc_f(%arg0: i32, %arg1: memref<32x1024xf32, #tpu.memory_space<vmem>>, %arg2: memref<8x1024xf32, #tpu.memory_space<vmem>>, %arg3: memref<1x1024xf32, #tpu.memory_space<vmem>>, %arg4: memref<8x1xf32, #tpu.memory_space<vmem>>, %arg5: memref<1024x8xf32, #tpu.memory_space<vmem>>) attributes {dimension_semantics = [#tpu.dimension_semantics<arbitrary>], iteration_bounds = array<i64: 10>, scalar_prefetch = 0 : i64, scratch_operands = 0 : i64, tpu.core_type = #tpu.core_type<tc>, window_params = [{transform_indices = @transform_0, window_bounds = array<i64: 32, 1024>}, {transform_indices = @transform_1, window_bounds = array<i64: 8, 1024>}, {transform_indices = @transform_2, window_bounds = array<i64: 1, 1024>}, {pipeline_mode = #tpu.pipeline_mode<synchronous>, transform_indices = @transform_3, window_bounds = array<i64: 8, 1>}, {transform_indices = @transform_4, window_bounds = array<i64: 1024, 8>}]} {
    %get3A = arith.constant 0 : index
    %get3A_0 = arith.constant 0 : index
    %get3A_1 = vector.load %arg1[%get3A, %get3A_0] : memref<32x1024xf32, #tpu.memory_space<vmem>>, vector<32x1024xf32>
    %slice3A = vector.extract_strided_slice %get3A_1 {offsets = [0, 0], sizes = [8, 1024], strides = [1, 1]} : vector<32x1024xf32> to vector<8x1024xf32>
    %slice3A_2 = vector.extract_strided_slice %get3A_1 {offsets = [8, 0], sizes = [8, 1024], strides = [1, 1]} : vector<32x1024xf32> to vector<8x1024xf32>
    %add3A = arith.addf %slice3A, %slice3A_2 : vector<8x1024xf32>
    %slice3A_3 = vector.extract_strided_slice %get3A_1 {offsets = [16, 0], sizes = [8, 1024], strides = [1, 1]} : vector<32x1024xf32> to vector<8x1024xf32>
    %add3A_4 = arith.addf %add3A, %slice3A_3 : vector<8x1024xf32>
    %slice3A_5 = vector.extract_strided_slice %get3A_1 {offsets = [24, 0], sizes = [8, 1024], strides = [1, 1]} : vector<32x1024xf32> to vector<8x1024xf32>
    %add3A_6 = arith.addf %add3A_4, %slice3A_5 : vector<8x1024xf32>
    %get3A_7 = arith.constant 0 : index
    %get3A_8 = arith.constant 0 : index
    %get3A_9 = vector.load %arg2[%get3A_7, %get3A_8] : memref<8x1024xf32, #tpu.memory_space<vmem>>, vector<8x1024xf32>
    %add3A_10 = arith.addf %add3A_6, %get3A_9 : vector<8x1024xf32>
    %get3A_11 = arith.constant 0 : index
    %get3A_12 = arith.constant 0 : index
    %get3A_13 = vector.load %arg3[%get3A_11, %get3A_12] : memref<1x1024xf32, #tpu.memory_space<vmem>>, vector<1x1024xf32>
    %mul3A = vector.broadcast %get3A_13 : vector<1x1024xf32> to vector<8x1024xf32>
    %mul3A_14 = arith.mulf %add3A_10, %mul3A : vector<8x1024xf32>
    %get3A_15 = arith.constant 0 : index
    %get3A_16 = arith.constant 0 : index
    %get3A_17 = vector.load %arg4[%get3A_15, %get3A_16] : memref<8x1xf32, #tpu.memory_space<vmem>>, vector<8x1xf32>
    %add3A_18 = vector.broadcast %get3A_17 : vector<8x1xf32> to vector<8x1024xf32>
    %add3A_19 = arith.addf %mul3A_14, %add3A_18 : vector<8x1024xf32>
    %reduce_max3A = arith.constant dense<0xFF800000> : vector<1024xf32>
    %reduce_max3A_20 = vector.multi_reduction <maximumf>, %add3A_19, %reduce_max3A [0] : vector<8x1024xf32> to vector<1024xf32>
    %broadcast_in_dim3A = vector.shape_cast %reduce_max3A_20 : vector<1024xf32> to vector<1x1024xf32>
    %sub3A = vector.broadcast %broadcast_in_dim3A : vector<1x1024xf32> to vector<8x1024xf32>
    %sub3A_21 = arith.subf %add3A_19, %sub3A : vector<8x1024xf32>
    %exp3A = math.exp %sub3A_21 : vector<8x1024xf32>
    %reduce_sum3A = arith.constant dense<0.000000e+00> : vector<1024xf32>
    %reduce_sum3A_22 = vector.multi_reduction <add>, %exp3A, %reduce_sum3A [0] : vector<8x1024xf32> to vector<1024xf32>
    %broadcast_in_dim3A_23 = vector.shape_cast %reduce_sum3A_22 : vector<1024xf32> to vector<1x1024xf32>
    %log3A = math.log %broadcast_in_dim3A_23 : vector<1x1024xf32>
    %sub3A_24 = vector.broadcast %broadcast_in_dim3A : vector<1x1024xf32> to vector<8x1024xf32>
    %sub3A_25 = arith.subf %add3A_19, %sub3A_24 : vector<8x1024xf32>
    %sub3A_26 = vector.broadcast %log3A : vector<1x1024xf32> to vector<8x1024xf32>
    %sub3A_27 = arith.subf %sub3A_25, %sub3A_26 : vector<8x1024xf32>
    %transpose3A = tpu.transpose %sub3A_27, [1, 0] : vector<8x1024xf32> -> vector<1024x8xf32>
    %swap3A = arith.constant 0 : index
    %swap3A_28 = arith.constant 0 : index
    %swap3A_29 = vector.load %arg5[%swap3A, %swap3A_28] : memref<1024x8xf32, #tpu.memory_space<vmem>>, vector<1024x8xf32>
    tpu.vector_store %arg5[%swap3A, %swap3A_28], %transpose3A {strides = array<i32>} : memref<1024x8xf32, #tpu.memory_space<vmem>>, vector<1024x8xf32>,
    return
  }
  func.func @transform_0(%arg0: i32) -> (i32, i32) {
    %c0_i32 = arith.constant 0 : i32
    %c0_i32_0 = arith.constant 0 : i32
    return %c0_i32, %arg0 : i32, i32
  }
  func.func @transform_1(%arg0: i32) -> (i32, i32) {
    %c0_i32 = arith.constant 0 : i32
    %c0_i32_0 = arith.constant 0 : i32
    return %c0_i32, %arg0 : i32, i32
  }
  func.func @transform_2(%arg0: i32) -> (i32, i32) {
    %c0_i32 = arith.constant 0 : i32
    %c0_i32_0 = arith.constant 0 : i32
    return %c0_i32, %arg0 : i32, i32
  }
  func.func @transform_3(%arg0: i32) -> (i32, i32) {
    %c0_i32 = arith.constant 0 : i32
    %c0_i32_0 = arith.constant 0 : i32
    %c0_i32_1 = arith.constant 0 : i32
    return %c0_i32, %c0_i32_0 : i32, i32
  }
  func.func @transform_4(%arg0: i32) -> (i32, i32) {
    %c0_i32 = arith.constant 0 : i32
    %c0_i32_0 = arith.constant 0 : i32
    return %arg0, %c0_i32 : i32, i32
  }
}

</mosaic_0001>

<sc_bundles>
// kernel: kernel.11.cloned.1.call-start
scs
__scs_entry_jumppad:
0x0: {  	(pc) =	sbr.rel $0x88, $3  }
0x1: {  	(tag) =	ssettag $0x0;
	lr =	simm.s32 $0x1  }
0x2: {  	[smem:$0x3F9B] =	sst lr;
	_ =	strace $0xD0000000  }
0x3: {  	_ = 	snop  }
0x4: {  	_ = 	snop  }
0x5: {  	_ = 	snop  }
0x6: {  	_ = 	snop  }
0x7: {  	_ = 	snop  }
__scs_overlays_trampoline_lowered:
0x8: {  	[smem:$0x3FAA] =	sst s0  }
0x9: {  	[smem:$0x3FAB] =	sst s1  }
0xa: {  	[smem:$0x3FAC] =	sst s2  }
0xb: {  	[smem:$0x3FAD] =	sst s3  }
0xc: {  	[smem:$0x3FAE] =	sst s4  }
0xd: {  	[smem:$0x3FAF] =	sst s5  }
0xe: {  	[smem:$0x3FB0] =	sst s6  }
0xf: {  	[smem:$0x3FB1] =	sst s7  }
0x10: {  	[smem:$0x3FB2] =	sst s8  }
0x11: {  	[smem:$0x3FB3] =	sst s9;
	s0 =	simm.s32 @!p0 $0x0  }
0x12: {  	s1 =	sld [smem:$0x3F99];
	s0 =	simm.s32 @p0 $0x1  }
0x13: {  	[smem:$0x3FB4] =	sst s0;
	s0 =	simm.s32 @!p1 $0x0  }
0x14: {  	s2 =	sld [smem:$0x3F98];
	s0 =	simm.s32 @p1 $0x1  }
0x15: {  	[smem:$0x3FB5] =	sst s0;
	s0 =	simm.s32 @!p2 $0x0  }
0x16: {  	s3 =	sld [smem:$0x3FDB];
	s0 =	simm.s32 @p2 $0x1  }
0x17: {  	s4 =	simm.s32 $0x1BF5;
	[smem:$0x3FB7] =	sst s0  }
0x18: {  	s0 =	sld [smem:$0x3F9A];
	_ =	swait.ge [sflag:s4], $0x0  }
0x19: {  	s7 =	sld [smem:$0x3F9B]  }
0x1a: {  	s8 =	sadd.s32 $0xFFFFE003, lr  }
0x1b: {  	s9 =	sadd.s32 $0xFFFFFEF7, lr;
	s5 =	simm.s32 $0xFFFFFFFF;
	p2 =	slt.u32 s8, $0xFFFFF086  }
0x1c: {  	p1 =	slt.u32 s9, $0xF7A;
	s5 =	simm.s32 @!p2 $0x0  }
0x1d: {  	s5 =	simm.s32 @p1 $0x1;
	p0 =	seq.s32 s7, s2  }
0x1e: {  	s7 =	smul.u32 @!p0 $0xF7A, s2;
	p2 =	seq.s32 @!p0 s5, $0x0  }
0x1f: {  	s9 =	smul.u32 $0xF7A, s1;
	s8 =	simm.s32 @!p0 $0x1BF5;
	p2 =	por !p2, p0  }
0x20: {  	[sflag:s8] =	ssyncset.s32 @!p0 $0xFFFFF086;
	s6 =	sadd.s32 @!p0 s3, s7;
	s7 =	simm.s32 @!p0 $0x108  }
0x21: {  	s3 =	sadd.s32 s3, s9;
	s6 =	sadd.s32 @!p0 $0x88, s6;
	s7 =	simm.s32 @p2 $0x1082  }
0x22: {  	[simem:s7], [sflag:s8] =	dma.local @!p0 [hbm:s6], $0xF7A  }
0x23: {  	s9 =	sor.u32 $0xD0000000, s2;
	s6 =	simm.s32 $0x108;
	_ =	swait.ge @!p0 [sflag:s8], $0x0  }
0x24: {  	s3 =	sadd.s32 $0x88, s3;
	s6 =	simm.s32 @!p1 $0x1082;
	[sflag:s4] =	ssyncset.s32 $0xFFFFF086  }
0x25: {  	[simem:s6], [sflag:s4] =	dma.local [hbm:s3], $0xF7A  }
0x26: {  	[smem:$0x3F9B] =	sst s1;
	(tag) =	ssettag s2;
	_ =	strace s9  }
0x27: {  	s1 =	sld [smem:$0x3FAB]  }
0x28: {  	s2 =	sld [smem:$0x3FAC]  }
0x29: {  	s4 =	sld [smem:$0x3FAE]  }
0x2a: {  	p0 =	seq.s32 s5, $0x0;
	s5 =	sld [smem:$0x3FAF]  }
0x2b: {  	s6 =	sld [smem:$0x3FB0]  }
0x2c: {  	s7 =	sld [smem:$0x3FB1]  }
0x2d: {  	s3 =	simm.s32 $0x108;
	s8 =	sld [smem:$0x3FB2]  }
0x2e: {  	s3 =	simm.s32 @!p0 $0x1082;
	s9 =	sld [smem:$0x3FB3]  }
0x2f: {  	lr =	sadd.s32 s0, s3;
	s0 =	sld [smem:$0x3FAA]  }
0x30: {  	s3 =	sld [smem:$0x3FAD]  }
0x31: {  	[smem:$0x3FB6] =	sst s10  }
0x32: {  	s10 =	sld [smem:$0x3FB4];
	_ =	sdelay $0x3  }
0x33: {  	p0 =	seq.s32 s10, $0x1;
	s10 =	sld [smem:$0x3FB6];
	_ =	sdelay $0x3  }
0x34: {  	[smem:$0x3FB6] =	sst s10  }
0x35: {  	s10 =	sld [smem:$0x3FB5];
	_ =	sdelay $0x3  }
0x36: {  	p1 =	seq.s32 s10, $0x1;
	s10 =	sld [smem:$0x3FB6];
	_ =	sdelay $0x3  }
0x37: {  	[smem:$0x3FB6] =	sst s10  }
0x38: {  	s10 =	sld [smem:$0x3FB7]  }
0x39: {  	_ = 	snop;
	(pc) =	sbr.ind lr, $3  }
0x3a: {  	_ = 	snop  }
0x3b: {  	_ = 	snop  }
0x3c: {  	p2 =	seq.s32 s10, $0x1;
	s10 =	sld [smem:$0x3FB6]  }
0x3d: {  	_ =	shalt  }
0x3e: {  	_ =	shalt  }
0x3f: {  	_ =	shalt  }
0x40: {  	_ =	shalt  }
0x41: {  	_ =	shalt  }
0x42: {  	_ =	shalt  }
0x43: {  	_ =	shalt  }
0x44: {  	_ =	shalt  }
0x45: {  	_ =	shalt  }
0x46: {  	_ =	shalt  }
0x47: {  	_ =	shalt  }
0x48: {  	_ =	shalt  }
0x49: {  	_ =	shalt  }
0x4a: {  	_ =	shalt  }
0x4b: {  	_ =	shalt  }
0x4c: {  	_ =	shalt  }
0x4d: {  	_ =	shalt  }
0x4e: {  	_ =	shalt  }
0x4f: {  	_ =	shalt  }
0x50: {  	_ =	shalt  }
0x51: {  	_ =	shalt  }
0x52: {  	_ =	shalt  }
0x53: {  	_ =	shalt  }
0x54: {  	_ =	shalt  }
0x55: {  	_ =	shalt  }
0x56: {  	_ =	shalt  }
0x57: {  	_ =	shalt  }
0x58: {  	_ =	shalt  }
0x59: {  	_ =	shalt  }
0x5a: {  	_ =	shalt  }
0x5b: {  	_ =	shalt  }
0x5c: {  	_ =	shalt  }
0x5d: {  	_ =	shalt  }
0x5e: {  	_ =	shalt  }
0x5f: {  	_ =	shalt  }
0x60: {  	_ =	shalt  }
0x61: {  	_ =	shalt  }
0x62: {  	_ =	shalt  }
0x63: {  	_ =	shalt  }
0x64: {  	_ =	shalt  }
0x65: {  	_ =	shalt  }
0x66: {  	_ =	shalt  }
0x67: {  	_ =	shalt  }
0x68: {  	_ =	shalt  }
0x69: {  	_ =	shalt  }
0x6a: {  	_ =	shalt  }
0x6b: {  	_ =	shalt  }
0x6c: {  	_ =	shalt  }
0x6d: {  	_ =	shalt  }
0x6e: {  	_ =	shalt  }
0x6f: {  	_ =	shalt  }
0x70: {  	_ =	shalt  }
0x71: {  	_ =	shalt  }
0x72: {  	_ =	shalt  }
0x73: {  	_ =	shalt  }
0x74: {  	_ =	shalt  }
0x75: {  	_ =	shalt  }
0x76: {  	_ =	shalt  }
0x77: {  	_ =	shalt  }
0x78: {  	_ =	shalt  }
0x79: {  	_ =	shalt  }
0x7a: {  	_ =	shalt  }
0x7b: {  	_ =	shalt  }
0x7c: {  	_ =	shalt  }
0x7d: {  	_ =	shalt  }
0x7e: {  	_ =	shalt  }
0x7f: {  	_ =	shalt  }
0x80: {  	_ =	shalt  }
0x81: {  	_ =	shalt  }
0x82: {  	_ =	shalt  }
0x83: {  	_ =	shalt  }
0x84: {  	_ =	shalt  }
0x85: {  	_ =	shalt  }
0x86: {  	_ =	shalt  }
0x87: {  	_ =	shalt  }
.Lfunc_end0:
.L_simem_size_0:
called_computation.1_lowered:
.L_overlay_start_0:
0x88: {  	s2 =	sld [smem:$0x3FD9]  }
0x89: {  	s3 =	sld [smem:$0x3FFE];
	_ =	sdelay $0x1  }
0x8a: {  	s1 =	srdreg.scid  }
0x8b: {  	s0 =	sand.u32 $0x1, s1  }
0x8c: {  	s16 =	sshll.u32 s0, $0xA;
	s2 =	sadd.s32 s3, s2  }
0x8d: {  	s2 =	sadd.s32 s2, s16  }
0x8e: {  	[smem:$0x3FC2] =	sst s2  }
0x8f: {  	_ = 	snop  }
0x90: {  	(tm) =	ssettm $0x1  }
0x91: {  	s17 =	sld [smem:$0x3FFB];
	_ =	sdelay $0x3  }
0x92: {  	_ =	strace s17  }
0x93: {  	s2 =	sld [smem:$0x3FFC];
	_ =	sdelay $0x3  }
0x94: {  	_ =	strace s2  }
0x95: {  	s2 =	sld [smem:$0x3FFD];
	_ =	sdelay $0x3  }
0x96: {  	_ =	strace s2  }
0x97: {  	_ =	strace $0x8FFFFFFF  }
0x98: {  	s18 =	sld [smem:$0x3FDB];
	_ =	sdelay $0x1  }
0x99: {  	s19 =	simm.s32 $_scs_section_size  }
0x9a: {  	s4 =	simm.s32 $_size__tile_overlayer_lowered;
	s5 =	simm.s32 $_tile_overlayer_lowered  }
0x9b: {  	s22 =	simm.s32 $0x1BFF;
	s21 =	sshll.u32 s5, $0x1;
	s2 =	sadd.s32 s19, s18  }
0x9c: {  	s6 =	simm.s32 $0x0;
	s20 =	sshll.u32 s4, $0x1;
	s4 =	sadd.s32 s21, s2  }
0x9d: {  	[timem:s6], [sflag:s22] =	dma.local [hbm:s4], s20  }
0x9e: {  	_ =	swait.ge [sflag:s22], s20  }
0x9f: {  	s3 =	ssub.s32 $0x0, s20;
	[sflag:s22] =	ssyncset.done $0x0  }
0xa0: {  	[sflag:s22] =	ssyncadd.s32 s3;
	_ =	sdelay $0x1  }
0xa1: {  	s23 =	simm.s32 $0x1B8B  }
0xa2: {  	_ =	swait.ge [sflag:s23], $0x1  }
0xa3: {  	[sflag:s23] =	ssyncset.done $0x0  }
0xa4: {  	s25 =	simm.s32 $0x1B8E;
	s24 =	sld [smem:$0x3FFE];
	[sflag:s23] =	ssyncadd.s32 $0xFFFFFFFF  }
0xa5: {  	s26 =	simm.s32 $execute0_lowered;
	[smem:$0x3FD2] =	sst s25  }
0xa6: {  	s4 =	sshll.u32 s26, $0x1;
	_ =	strace $0x80000049;
	[dreg:$0x1] =	wrdreg $0xFFFFFFFF  }
0xa7: {  	s28 =	simm.s32 $_size_execute0_lowered;
	s2 =	sadd.s32 s2, s4;
	[dreg:$0x0] =	wrdreg $0x0  }
0xa8: {  	s4 =	sshll.u32 s28, $0x1;
	[dreg:$0x2] =	wrdreg s2  }
0xa9: {  	[dreg:$0x3] =	wrdreg s4  }
0xaa: {  	[dreg:$0x4] =	wrdreg $0xC0  }
0xab: {  	_ =	task [dreg:s6], $0x5FFFF  }
0xac: {  	[dreg:$0x1] =	wrdreg $0xFFFFFFFF  }
0xad: {  	[dreg:$0x0] =	wrdreg $0x60  }
0xae: {  	[dreg:$0x2] =	wrdreg s24  }
0xaf: {  	[dreg:$0x3] =	wrdreg $0x9  }
0xb0: {  	_ =	task.clear_ibuf [dreg:s6], $0x4FFFF;
	_ =	strace $0x90000049  }
0xb1: {  	s29 =	simm.s32 $0x9;
	_ =	strace $0x8000004B  }
0xb2: {  	_ =	swait.ge [sflag:s29], $0x1  }
0xb3: {  	[sflag:s29] =	ssyncadd.s32 $0xFFFFFFFF  }
0xb4: {  	_ =	strace $0x9000004B  }
0xb5: {  	_ =	sfence  }
0xb6: {  	s30 =	sld [smem:$0x0];
	_ =	sdelay $0x2  }
0xb7: {  	s31 =	sshll.u32 s1, $0xD;
	s1 =	sshrl.u32 s1, $0x2  }
0xb8: {  	s3 =	sand.u32 $0x4000, s31;
	s1 =	sadd.s32 s1, s30  }
0xb9: {  	s0 =	sor.u32 s3, s0;
	s1 =	sshll.u32 s1, $0x11  }
0xba: {  	s0 =	sor.u32 s1, s0  }
0xbb: {  	s0 =	sadd.s32 $0x8F2B, s0  }
0xbc: {  	[sflag:s0] =	ssyncadd.remote.s32 $0x1  }
0xbd: {  	_ =	sfence.sel $0xFFFF  }
0xbe: {  	[dreg:$0x0] =	wrdreg $0xFFFFFFFF;
	(pc) =	sbr.abs _section_cstart, $3  }
0xbf: {  	[dreg:$0x1] =	wrdreg $0xFFFFFFFF  }
0xc0: {  	_ =	task.clear_ibuf [dreg:s6], $0x2FFFF;
	_ =	strace $0x9FFFFFFF  }
0xc1: {  	(tm) =	ssettm $0x7FFFFFFF  }
tec
execute0_lowered:
.L_overlay_start_1:
0x0: {  	(tag) =	ssettag $0x1  }
0x1: {  	s4 =	rddreg [dreg:$0x0];
	s2 =	srdreg.scid  }
0x2: {  	s0 =	rddreg [dreg:$0x1];
	s1 =	stileid.u32  }
0x3: {  	s12 =	simm.s32 $0x1E000;
	s13 =	simm.s32 $0x1E400;
	s14 =	simm.s32 $0x2  }
0x4: {  	s15 =	simm.s32 $0xA000;
	s16 =	simm.s32 $0x3;
	s17 =	simm.s32 $0x4  }
0x5: {  	s18 =	simm.s32 $0x14000;
	s19 =	simm.s32 $0x0;
	s5 =	sand.u32 $0x1, s2  }
0x6: {  	s2 =	simm.s32 $0x0;
	s3 =	sshll.u32 s1, $0x2;
	s7 =	smul.u32 $0x1400, s1  }
0x7: {  	s6 =	sshll.u32 s5, $0x7;
	[smem:$0x7FF] =	sst s2;
	s8 =	ssub.s32 $0x2, s5  }
0x8: {  	s9 =	smul.u32 $0x28000, s5;
	s3 =	sor.u32 s3, s6;
	_ =	strace $0x8000004A  }
0x9: {  	s29 =	sadd.s32 s7, s4;
	s30 =	sshrl.u32 s8, $0x1;
	s6 =	smul.u32 $0x500, s3  }
0xa: {  	s3 =	sadd.s32 $0xBC00, s4;
	s11 =	ssub.s32 s8, s30;
	s31 =	sshrl.u32 s9, $0x3  }
0xb: {  	s7 =	sor.u32 $0x800, s9;
	s5 =	sadd.s32 s3, s31;
	s10 =	sadd.s32 s6, s4  }
0xc: {  	s4 =	sadd.s32 $0x15C00, s29;
	s6 =	sor.u32 $0x400, s9;
	s8 =	sadd.s32 $0x29C00, s10  }
0xd: {  	v0 =	vimm.f32 $0.0e+00;
	s9 =	sadd.s32 $0x3DC00, s10;
	s10 =	smax.u32 s11, $0x1;
	s11 =	simm.s32 $0x1  }
.LBB2_1:
0xe: {  	s20 =	smul.u32 $0xCCCD, s2  }
0xf: {  	[tilespmem:s2], [sflag:$0x1] =	stream.linear.gather [hbm4b:s4+s2], $0xA000, $0x38;
	[tilespmem:$0x1E800] =	vst v63  }
0x10: {  	s21 =	sshrl.u32 s20, $0x19  }
0x11: {  	s22 =	simm.s32 $0x0;
	s20 =	simm.s32 $0x1;
	s23 =	smul.u32 $0x280, s21  }
.LBB2_2:
0x12: {  	s24 =	smul.u32 $0xCCCD, s20  }
0x13: {  	s25 =	smov.u32 s20;
	s21 =	smul.u32 $0xA000, s21;
	p0 =	sne.s32 s20, $0x13FF  }
.Ltmp0:
0x14: {  	s22 =	ssub.s32 s22, s23;
	(pc) =	sbr.rel @p0 .LBB2_2-.Ltmp0, $4  }
0x15: {  	s20 =	sadd.s32 $0x1, s20;
	s22 =	sand.u32 $0xFFFF, s22  }
0x16: {  	s23 =	sshrl.u32 s21, $0x2;
	s26 =	sshll.u32 s22, $0x4;
	s22 =	smov.u32 s25  }
0x17: {  	s21 =	sshrl.u32 s24, $0x19;
	s24 =	sadd.s32 s26, s23  }
0x18: {  	s23 =	smul.u32 $0x280, s21;
	[tilespmem:s24+$0xA000] =	vst v0  }
0x19: {  	_ = 	snop  }
0x1a: {  	s21 =	smul.u32 $0xA000, s21;
	s20 =	ssub.s32 s22, s23  }
0x1b: {  	s20 =	sand.u32 $0xFFFF, s20  }
0x1c: {  	s21 =	sshrl.u32 s21, $0x2;
	s20 =	sshll.u32 s20, $0x4  }
0x1d: {  	s20 =	sadd.s32 s20, s21  }
0x1e: {  	[tilespmem:s20+$0xA000] =	vst v0  }
0x1f: {  	_ =	swait.ge [sflag:s11], $0xA000  }
0x20: {  	[sflag:s11] =	ssyncset.done $0x0  }
0x21: {  	s20 =	simm.s32 $0x0;
	[sflag:s11] =	ssyncadd.s32 $0xFFFF6000  }
0x22: {  	[tilespmem:s12], [sflag:$0x2] =	stream.linear.gather [hbm4b:s5+s20], $0x400, $0x38;
	[tilespmem:$0x1E800] =	vst v63  }
.LBB2_4:
0x23: {  	s21 =	sshll.u32 s20, $0xB  }
0x24: {  	s22 =	sadd.s32 s21, s6  }
0x25: {  	s22 =	sshrl.u32 s22, $0x3  }
0x26: {  	s22 =	sadd.s32 s3, s22  }
0x27: {  	[tilespmem:s13], [sflag:$0x3] =	stream.linear.gather [hbm4b:s22+s2], $0x400, $0x38;
	[tilespmem:$0x1E800] =	vst v63  }
0x28: {  	_ =	swait.ge [sflag:s14], $0x400  }
0x29: {  	[sflag:s14] =	ssyncset.done $0x0  }
0x2a: {  	s31 =	simm.s32 $0x1E020;
	[sflag:s14] =	ssyncadd.s32 $0xFFFFFC00  }
0x2b: {  	v1 =	vld [tilespmem:s31+$0x10];
	_ =	sdelay $0x3  }
0x2c: {  	v2 =	vld [tilespmem:s31+$0xFFFFFFE0]  }
0x2d: {  	v3 =	vld [tilespmem:s31+$0xFFFFFFF0];
	v4 =	vand.u32 $0x3FFF, v1;
	_ =	sdelay $0x3  }
0x2e: {  	v5 =	vld [tilespmem:s31+$0x0];
	v6 =	vand.u32 $0x3FFF, v2  }
0x2f: {  	v8 =	vand.u32 $0x3FFF, v3;
	v7 =	vld.idx.msk [tilespmem:v4+s2+$0x0], $0xffff  }
0x30: {  	v1 =	vshrl.u32 v1, $0xE  }
0x31: {  	v9 =	vadd.s32 $0xA000, v1  }
0x32: {  	v10 =	vadd.s32 $0x2800, v4  }
0x33: {  	v16 =	vand.u32 $0x3FFF, v5;
	v11 =	vld.idx.msk [tilespmem:v6+s2+$0x0], $0xffff  }
0x34: {  	v2 =	vshrl.u32 v2, $0xE;
	v12 =	vld.idx.msk [tilespmem:v8+s2+$0x0], $0xffff;
	v13 =	vshll.u32 v7, $0x10  }
0x35: {  	v14 =	vadd.s32 $0xA000, v2;
	v7 =	vand.u32 $0xFFFF0000, v7;
	[tilespmem:v1+s15+$0x0] =	vst.idx.add.f32.msk $0xffff, v13  }
0x36: {  	v19 =	vshrl.u32 v3, $0xE;
	[tilespmem:v9+s15+$0x0] =	vst.idx.add.f32.msk $0xffff, v7  }
0x37: {  	v3 =	vadd.s32 $0xA000, v19;
	v7 =	vld.idx.msk [tilespmem:v10+s2+$0x0], $0xffff  }
0x38: {  	v13 =	vadd.s32 $0x2800, v1;
	v9 =	vld.idx.msk [tilespmem:v16+s2+$0x0], $0xffff;
	v10 =	vshll.u32 v11, $0x10  }
0x39: {  	v11 =	vand.u32 $0xFFFF0000, v11;
	[tilespmem:v2+s15+$0x0] =	vst.idx.add.f32.msk $0xffff, v10;
	v10 =	vadd.s32 $0xC800, v1  }
0x3a: {  	v15 =	vshll.u32 v12, $0x10;
	[tilespmem:v14+s15+$0x0] =	vst.idx.add.f32.msk $0xffff, v11;
	v11 =	vadd.s32 $0x5000, v4  }
0x3b: {  	v20 =	vshrl.u32 v5, $0xE;
	v5 =	vand.u32 $0xFFFF0000, v12;
	[tilespmem:v19+s15+$0x0] =	vst.idx.add.f32.msk $0xffff, v15  }
0x3c: {  	v12 =	vadd.s32 $0xA000, v20;
	[tilespmem:v3+s15+$0x0] =	vst.idx.add.f32.msk $0xffff, v5;
	v3 =	vshll.u32 v7, $0x10  }
0x3d: {  	v5 =	vadd.s32 $0x2800, v6;
	v7 =	vand.u32 $0xFFFF0000, v7;
	[tilespmem:v13+s15+$0x0] =	vst.idx.add.f32.msk $0xffff, v3  }
0x3e: {  	v3 =	vadd.s32 $0x2800, v8;
	[tilespmem:v10+s15+$0x0] =	vst.idx.add.f32.msk $0xffff, v7  }
0x3f: {  	v7 =	vadd.s32 $0x2800, v16;
	v10 =	vshll.u32 v9, $0x10;
	v11 =	vld.idx.msk [tilespmem:v11+s2+$0x0], $0xffff  }
0x40: {  	v9 =	vand.u32 $0xFFFF0000, v9;
	[tilespmem:v20+s15+$0x0] =	vst.idx.add.f32.msk $0xffff, v10;
	v10 =	vadd.s32 $0x5000, v1  }
0x41: {  	[tilespmem:v12+s15+$0x0] =	vst.idx.add.f32.msk $0xffff, v9;
	v9 =	vadd.s32 $0xF000, v1  }
0x42: {  	v4 =	vadd.s32 $0x7800, v4;
	v5 =	vld.idx.msk [tilespmem:v5+s2+$0x0], $0xffff  }
0x43: {  	v12 =	vadd.s32 $0x2800, v2;
	v3 =	vld.idx.msk [tilespmem:v3+s2+$0x0], $0xffff  }
0x44: {  	v13 =	vadd.s32 $0xC800, v2;
	v7 =	vld.idx.msk [tilespmem:v7+s2+$0x0], $0xffff;
	v14 =	vshll.u32 v11, $0x10  }
0x45: {  	v15 =	vadd.s32 $0x2800, v19;
	v11 =	vand.u32 $0xFFFF0000, v11;
	[tilespmem:v10+s15+$0x0] =	vst.idx.add.f32.msk $0xffff, v14  }
0x46: {  	v17 =	vadd.s32 $0x5000, v6;
	[tilespmem:v9+s15+$0x0] =	vst.idx.add.f32.msk $0xffff, v11  }
0x47: {  	v10 =	vadd.s32 $0xC800, v19;
	v11 =	vshll.u32 v5, $0x10;
	v4 =	vld.idx.msk [tilespmem:v4+s2+$0x0], $0xffff  }
0x48: {  	v9 =	vadd.s32 $0x2800, v20;
	v5 =	vand.u32 $0xFFFF0000, v5;
	[tilespmem:v12+s15+$0x0] =	vst.idx.add.f32.msk $0xffff, v11  }
0x49: {  	v21 =	vadd.s32 $0x5000, v8;
	v11 =	vshll.u32 v3, $0x10;
	[tilespmem:v13+s15+$0x0] =	vst.idx.add.f32.msk $0xffff, v5  }
0x4a: {  	v14 =	vadd.s32 $0xC800, v20;
	[tilespmem:v15+s15+$0x0] =	vst.idx.add.f32.msk $0xffff, v11  }
0x4b: {  	v22 =	vadd.s32 $0x5000, v16;
	v3 =	vand.u32 $0xFFFF0000, v3;
	v18 =	vld.idx.msk [tilespmem:v17+s2+$0x0], $0xffff  }
0x4c: {  	v8 =	vadd.s32 $0x7800, v8;
	v5 =	vadd.s32 $0x7800, v1;
	v11 =	vshll.u32 v7, $0x10;
	[tilespmem:v10+s15+$0x0] =	vst.idx.add.f32.msk $0xffff, v3  }
0x4d: {  	v12 =	vadd.s32 $0xF000, v19;
	v1 =	vadd.s32 $0x11800, v1;
	v15 =	vadd.s32 $0x5000, v2;
	[tilespmem:v9+s15+$0x0] =	vst.idx.add.f32.msk $0xffff, v11  }
0x4e: {  	v13 =	vadd.s32 $0x5000, v19;
	v3 =	vand.u32 $0xFFFF0000, v7;
	v7 =	vadd.s32 $0x7800, v6;
	v17 =	vld.idx.msk [tilespmem:v21+s2+$0x0], $0xffff  }
0x4f: {  	v10 =	vadd.s32 $0xF000, v20;
	v6 =	vadd.s32 $0x7800, v2;
	v11 =	vadd.s32 $0x5000, v20;
	[tilespmem:v14+s15+$0x0] =	vst.idx.add.f32.msk $0xffff, v3  }
0x50: {  	v9 =	vadd.s32 $0x7800, v16;
	v3 =	vshll.u32 v4, $0x10;
	v14 =	vadd.s32 $0xF000, v2;
	v16 =	vld.idx.msk [tilespmem:v22+s2+$0x0], $0xffff  }
0x51: {  	v4 =	vand.u32 $0xFFFF0000, v4;
	[tilespmem:v5+s15+$0x0] =	vst.idx.add.f32.msk $0xffff, v3;
	v5 =	vadd.s32 $0x11800, v2;
	v3 =	vadd.s32 $0x7800, v19  }
0x52: {  	s23 =	simm.s32 $0x1E060;
	s22 =	simm.s32 $0x0;
	v2 =	vadd.s32 $0x7800, v20;
	[tilespmem:v1+s15+$0x0] =	vst.idx.add.f32.msk $0xffff, v4;
	v4 =	vadd.s32 $0x11800, v19;
	v1 =	vadd.s32 $0x11800, v20  }
.LBB2_5:
0x53: {  	v19 =	vld [tilespmem:s23+$0x10];
	v20 =	vshll.u32 v18, $0x10;
	v18 =	vand.u32 $0xFFFF0000, v18  }
0x54: {  	v22 =	vshll.u32 v17, $0x10;
	v17 =	vand.u32 $0xFFFF0000, v17;
	v21 =	vld [tilespmem:s23+$0xFFFFFFF0]  }
0x55: {  	v24 =	vshll.u32 v16, $0x10;
	v16 =	vand.u32 $0xFFFF0000, v16;
	v23 =	vld [tilespmem:s23+$0x0]  }
0x56: {  	v25 =	vld [tilespmem:s23+$0xFFFFFFE0]  }
0x57: {  	s22 =	sadd.s32 $0x4, s22;
	[tilespmem:v15+s15+$0x0] =	vst.idx.add.f32.msk $0xffff, v20  }
0x58: {  	p0 =	slt.u32 s22, $0x3C;
	v20 =	vand.u32 $0x3FFF, v19;
	[tilespmem:v14+s15+$0x0] =	vst.idx.add.f32.msk $0xffff, v18  }
0x59: {  	v18 =	vshrl.u32 v21, $0xE;
	v21 =	vand.u32 $0x3FFF, v21;
	[tilespmem:v13+s15+$0x0] =	vst.idx.add.f32.msk $0xffff, v22  }
0x5a: {  	v22 =	vadd.s32 $0xA000, v18;
	v26 =	vshrl.u32 v23, $0xE;
	v23 =	vand.u32 $0x3FFF, v23;
	[tilespmem:v12+s15+$0x0] =	vst.idx.add.f32.msk $0xffff, v17  }
0x5b: {  	v17 =	vshrl.u32 v25, $0xE;
	v25 =	vand.u32 $0x3FFF, v25;
	v27 =	vadd.s32 $0xA000, v26;
	[tilespmem:v11+s15+$0x0] =	vst.idx.add.f32.msk $0xffff, v24  }
0x5c: {  	v29 =	vadd.s32 $0x2800, v21;
	v24 =	vadd.s32 $0xA000, v17;
	v28 =	vadd.s32 $0x2800, v25;
	[tilespmem:v10+s15+$0x0] =	vst.idx.add.f32.msk $0xffff, v16  }
0x5d: {  	v31 =	vadd.s32 $0x2800, v23;
	v16 =	vadd.s32 $0x2800, v17;
	v30 =	vadd.s32 $0xC800, v17;
	v32 =	vld.idx.msk [tilespmem:v20+s2+$0x0], $0xffff  }
0x5e: {  	v34 =	vadd.s32 $0x2800, v18;
	v35 =	vadd.s32 $0xC800, v18;
	v36 =	vadd.s32 $0x2800, v26;
	v33 =	vld.idx.msk [tilespmem:v21+s2+$0x0], $0xffff  }
0x5f: {  	v19 =	vshrl.u32 v19, $0xE;
	v39 =	vadd.s32 $0xC800, v26;
	v37 =	vadd.s32 $0x5000, v25;
	v38 =	vld.idx.msk [tilespmem:v23+s2+$0x0], $0xffff  }
0x60: {  	v43 =	vadd.s32 $0xA000, v19;
	v41 =	vadd.s32 $0x5000, v21;
	v42 =	vadd.s32 $0x5000, v23;
	v40 =	vld.idx.msk [tilespmem:v25+s2+$0x0], $0xffff  }
0x61: {  	v44 =	vadd.s32 $0x2800, v20;
	v15 =	vadd.s32 $0x5000, v17;
	v14 =	vadd.s32 $0xF000, v17;
	v45 =	vld.idx.msk [tilespmem:v7+s2+$0x0], $0xffff  }
0x62: {  	v13 =	vadd.s32 $0x5000, v18;
	v12 =	vadd.s32 $0xF000, v18;
	v11 =	vadd.s32 $0x5000, v26;
	v46 =	vld.idx.msk [tilespmem:v8+s2+$0x0], $0xffff  }
0x63: {  	v10 =	vadd.s32 $0xF000, v26;
	v7 =	vadd.s32 $0x7800, v25;
	v8 =	vshll.u32 v32, $0x10;
	v25 =	vld.idx.msk [tilespmem:v9+s2+$0x0], $0xffff  }
0x64: {  	v47 =	vshll.u32 v33, $0x10;
	v33 =	vand.u32 $0xFFFF0000, v33;
	v9 =	vand.u32 $0xFFFF0000, v32;
	[tilespmem:v19+s15+$0x0] =	vst.idx.add.f32.msk $0xffff, v8  }
0x65: {  	v8 =	vadd.s32 $0x7800, v21;
	v21 =	vshll.u32 v38, $0x10;
	v32 =	vand.u32 $0xFFFF0000, v38;
	[tilespmem:v43+s15+$0x0] =	vst.idx.add.f32.msk $0xffff, v9  }
0x66: {  	v38 =	vshll.u32 v40, $0x10;
	v40 =	vand.u32 $0xFFFF0000, v40;
	v9 =	vadd.s32 $0x7800, v23;
	v23 =	vld.idx.msk [tilespmem:v44+s2+$0x0], $0xffff  }
0x67: {  	v43 =	vshll.u32 v45, $0x10;
	v44 =	vand.u32 $0xFFFF0000, v45;
	[tilespmem:v17+s15+$0x0] =	vst.idx.add.f32.msk $0xffff, v38;
	v38 =	vadd.s32 $0x7800, v17  }
0x68: {  	v45 =	vand.u32 $0xFFFF0000, v46;
	[tilespmem:v24+s15+$0x0] =	vst.idx.add.f32.msk $0xffff, v40;
	v24 =	vadd.s32 $0x2800, v19;
	v40 =	vshll.u32 v46, $0x10  }
0x69: {  	v46 =	vadd.s32 $0xC800, v19;
	[tilespmem:v18+s15+$0x0] =	vst.idx.add.f32.msk $0xffff, v47;
	v47 =	vshll.u32 v25, $0x10;
	v25 =	vand.u32 $0xFFFF0000, v25  }
0x6a: {  	v17 =	vadd.s32 $0x11800, v17;
	[tilespmem:v22+s15+$0x0] =	vst.idx.add.f32.msk $0xffff, v33;
	v22 =	vadd.s32 $0x7800, v18;
	v33 =	vadd.s32 $0x5000, v20  }
0x6b: {  	v48 =	vadd.s32 $0x11800, v18;
	[tilespmem:v26+s15+$0x0] =	vst.idx.add.f32.msk $0xffff, v21;
	v21 =	vadd.s32 $0x7800, v26;
	v26 =	vadd.s32 $0x11800, v26  }
0x6c: {  	v18 =	vshll.u32 v23, $0x10;
	[tilespmem:v27+s15+$0x0] =	vst.idx.add.f32.msk $0xffff, v32  }
0x6d: {  	v23 =	vand.u32 $0xFFFF0000, v23;
	[tilespmem:v24+s15+$0x0] =	vst.idx.add.f32.msk $0xffff, v18  }
0x6e: {  	[tilespmem:v46+s15+$0x0] =	vst.idx.add.f32.msk $0xffff, v23  }
0x6f: {  	v18 =	vld.idx.msk [tilespmem:v33+s2+$0x0], $0xffff  }
0x70: {  	v23 =	vld.idx.msk [tilespmem:v28+s2+$0x0], $0xffff  }
0x71: {  	v27 =	vadd.s32 $0x5000, v19;
	v24 =	vld.idx.msk [tilespmem:v29+s2+$0x0], $0xffff  }
0x72: {  	v29 =	vadd.s32 $0xF000, v19;
	v28 =	vld.idx.msk [tilespmem:v31+s2+$0x0], $0xffff  }
0x73: {  	v20 =	vadd.s32 $0x7800, v20;
	[tilespmem:v6+s15+$0x0] =	vst.idx.add.f32.msk $0xffff, v43;
	v6 =	vmov v38  }
0x74: {  	[tilespmem:v5+s15+$0x0] =	vst.idx.add.f32.msk $0xffff, v44;
	v5 =	vmov v17  }
0x75: {  	v17 =	vshll.u32 v18, $0x10;
	[tilespmem:v3+s15+$0x0] =	vst.idx.add.f32.msk $0xffff, v40;
	v3 =	vmov v22  }
0x76: {  	v18 =	vand.u32 $0xFFFF0000, v18;
	v22 =	vshll.u32 v23, $0x10;
	v23 =	vand.u32 $0xFFFF0000, v23;
	[tilespmem:v27+s15+$0x0] =	vst.idx.add.f32.msk $0xffff, v17  }
0x77: {  	v17 =	vshll.u32 v24, $0x10;
	v24 =	vand.u32 $0xFFFF0000, v24;
	[tilespmem:v29+s15+$0x0] =	vst.idx.add.f32.msk $0xffff, v18  }
0x78: {  	v18 =	vshll.u32 v28, $0x10;
	v27 =	vand.u32 $0xFFFF0000, v28;
	v20 =	vld.idx.msk [tilespmem:v20+s2+$0x0], $0xffff  }
0x79: {  	[tilespmem:v16+s15+$0x0] =	vst.idx.add.f32.msk $0xffff, v22  }
0x7a: {  	v16 =	vadd.s32 $0x7800, v19;
	[tilespmem:v30+s15+$0x0] =	vst.idx.add.f32.msk $0xffff, v23  }
0x7b: {  	[tilespmem:v34+s15+$0x0] =	vst.idx.add.f32.msk $0xffff, v17;
	v17 =	vadd.s32 $0x11800, v19  }
0x7c: {  	[tilespmem:v35+s15+$0x0] =	vst.idx.add.f32.msk $0xffff, v24  }
0x7d: {  	[tilespmem:v36+s15+$0x0] =	vst.idx.add.f32.msk $0xffff, v18  }
0x7e: {  	v18 =	vshll.u32 v20, $0x10;
	[tilespmem:v39+s15+$0x0] =	vst.idx.add.f32.msk $0xffff, v27  }
0x7f: {  	v19 =	vand.u32 $0xFFFF0000, v20;
	[tilespmem:v16+s15+$0x0] =	vst.idx.add.f32.msk $0xffff, v18  }
0x80: {  	[tilespmem:v17+s15+$0x0] =	vst.idx.add.f32.msk $0xffff, v19  }
0x81: {  	v18 =	vld.idx.msk [tilespmem:v37+s2+$0x0], $0xffff  }
.Ltmp1:
0x82: {  	v17 =	vld.idx.msk [tilespmem:v41+s2+$0x0], $0xffff;
	(pc) =	sbr.rel @p0 .LBB2_5-.Ltmp1, $4  }
0x83: {  	v16 =	vld.idx.msk [tilespmem:v42+s2+$0x0], $0xffff  }
0x84: {  	[tilespmem:v4+s15+$0x0] =	vst.idx.add.f32.msk $0xffff, v45;
	v4 =	vmov v48  }
0x85: {  	[tilespmem:v2+s15+$0x0] =	vst.idx.add.f32.msk $0xffff, v47;
	v2 =	vmov v21  }
0x86: {  	s23 =	sadd.s32 $0x40, s23;
	[tilespmem:v1+s15+$0x0] =	vst.idx.add.f32.msk $0xffff, v25;
	v1 =	vmov v26  }
0x87: {  	_ =	sdelay $0x2  }
0x88: {  	v19 =	vshll.u32 v18, $0x10  }
0x89: {  	v18 =	vand.u32 $0xFFFF0000, v18;
	[tilespmem:v15+s15+$0x0] =	vst.idx.add.f32.msk $0xffff, v19  }
0x8a: {  	v15 =	vshll.u32 v17, $0x10;
	[tilespmem:v14+s15+$0x0] =	vst.idx.add.f32.msk $0xffff, v18  }
0x8b: {  	v14 =	vand.u32 $0xFFFF0000, v17;
	[tilespmem:v13+s15+$0x0] =	vst.idx.add.f32.msk $0xffff, v15  }
0x8c: {  	[tilespmem:v12+s15+$0x0] =	vst.idx.add.f32.msk $0xffff, v14  }
0x8d: {  	v12 =	vshll.u32 v16, $0x10;
	v7 =	vld.idx.msk [tilespmem:v7+s2+$0x0], $0xffff  }
0x8e: {  	[tilespmem:v11+s15+$0x0] =	vst.idx.add.f32.msk $0xffff, v12  }
0x8f: {  	v11 =	vand.u32 $0xFFFF0000, v16;
	v8 =	vld.idx.msk [tilespmem:v8+s2+$0x0], $0xffff  }
0x90: {  	[tilespmem:v10+s15+$0x0] =	vst.idx.add.f32.msk $0xffff, v11  }
0x91: {  	v9 =	vld.idx.msk [tilespmem:v9+s2+$0x0], $0xffff  }
0x92: {  	v10 =	vshll.u32 v7, $0x10  }
0x93: {  	v7 =	vand.u32 $0xFFFF0000, v7;
	[tilespmem:v6+s15+$0x0] =	vst.idx.add.f32.msk $0xffff, v10  }
0x94: {  	v6 =	vshll.u32 v8, $0x10;
	[tilespmem:v5+s15+$0x0] =	vst.idx.add.f32.msk $0xffff, v7  }
0x95: {  	p0 =	seq.s32 s20, $0x4F;
	v5 =	vand.u32 $0xFFFF0000, v8;
	[tilespmem:v3+s15+$0x0] =	vst.idx.add.f32.msk $0xffff, v6  }
0x96: {  	s21 =	sadd.s32 @!p0 s21, s7;
	v3 =	vshll.u32 v9, $0x10;
	[tilespmem:v4+s15+$0x0] =	vst.idx.add.f32.msk $0xffff, v5  }
0x97: {  	s21 =	sshrl.u32 @!p0 s21, $0x3;
	v4 =	vand.u32 $0xFFFF0000, v9;
	[tilespmem:v2+s15+$0x0] =	vst.idx.add.f32.msk $0xffff, v3  }
0x98: {  	s22 =	simm.s32 @!p0 $0x0;
	s23 =	simm.s32 @!p0 $0x1E000;
	s21 =	sadd.s32 @!p0 s3, s21;
	[tilespmem:v1+s15+$0x0] =	vst.idx.add.f32.msk $0xffff, v4  }
0x99: {  	[tilespmem:s23], [sflag:$0x2] =	stream.linear.gather @!p0 [hbm4b:s21+s22], $0x400, $0x38;
	[tilespmem:$0x1E800] =	vst v63  }
0x9a: {  	_ =	swait.ge [sflag:s16], $0x400  }
0x9b: {  	[sflag:s16] =	ssyncset.done $0x0  }
0x9c: {  	s31 =	simm.s32 $0x1E420;
	[sflag:s16] =	ssyncadd.s32 $0xFFFFFC00  }
0x9d: {  	v1 =	vld [tilespmem:s31+$0x10];
	_ =	sdelay $0x3  }
0x9e: {  	v2 =	vld [tilespmem:s31+$0xFFFFFFE0]  }
0x9f: {  	v3 =	vld [tilespmem:s31+$0xFFFFFFF0];
	v4 =	vand.u32 $0x3FFF, v1;
	_ =	sdelay $0x3  }
0xa0: {  	v5 =	vld [tilespmem:s31+$0x0];
	v6 =	vand.u32 $0x3FFF, v2  }
0xa1: {  	v8 =	vand.u32 $0x3FFF, v3;
	v7 =	vld.idx.msk [tilespmem:v4+s2+$0x0], $0xffff  }
0xa2: {  	v1 =	vshrl.u32 v1, $0xE  }
0xa3: {  	v9 =	vadd.s32 $0xA000, v1  }
0xa4: {  	v10 =	vadd.s32 $0x2800, v4  }
0xa5: {  	v16 =	vand.u32 $0x3FFF, v5;
	v11 =	vld.idx.msk [tilespmem:v6+s2+$0x0], $0xffff  }
0xa6: {  	v2 =	vshrl.u32 v2, $0xE;
	v12 =	vld.idx.msk [tilespmem:v8+s2+$0x0], $0xffff;
	v13 =	vshll.u32 v7, $0x10  }
0xa7: {  	v14 =	vadd.s32 $0xA000, v2;
	v7 =	vand.u32 $0xFFFF0000, v7;
	[tilespmem:v1+s15+$0x0] =	vst.idx.add.f32.msk $0xffff, v13  }
0xa8: {  	v19 =	vshrl.u32 v3, $0xE;
	[tilespmem:v9+s15+$0x0] =	vst.idx.add.f32.msk $0xffff, v7  }
0xa9: {  	v3 =	vadd.s32 $0xA000, v19;
	v7 =	vld.idx.msk [tilespmem:v10+s2+$0x0], $0xffff  }
0xaa: {  	v13 =	vadd.s32 $0x2800, v1;
	v9 =	vld.idx.msk [tilespmem:v16+s2+$0x0], $0xffff;
	v10 =	vshll.u32 v11, $0x10  }
0xab: {  	v11 =	vand.u32 $0xFFFF0000, v11;
	[tilespmem:v2+s15+$0x0] =	vst.idx.add.f32.msk $0xffff, v10;
	v10 =	vadd.s32 $0xC800, v1  }
0xac: {  	v15 =	vshll.u32 v12, $0x10;
	[tilespmem:v14+s15+$0x0] =	vst.idx.add.f32.msk $0xffff, v11;
	v11 =	vadd.s32 $0x5000, v4  }
0xad: {  	v20 =	vshrl.u32 v5, $0xE;
	v5 =	vand.u32 $0xFFFF0000, v12;
	[tilespmem:v19+s15+$0x0] =	vst.idx.add.f32.msk $0xffff, v15  }
0xae: {  	v12 =	vadd.s32 $0xA000, v20;
	[tilespmem:v3+s15+$0x0] =	vst.idx.add.f32.msk $0xffff, v5;
	v3 =	vshll.u32 v7, $0x10  }
0xaf: {  	v5 =	vadd.s32 $0x2800, v6;
	v7 =	vand.u32 $0xFFFF0000, v7;
	[tilespmem:v13+s15+$0x0] =	vst.idx.add.f32.msk $0xffff, v3  }
0xb0: {  	v3 =	vadd.s32 $0x2800, v8;
	[tilespmem:v10+s15+$0x0] =	vst.idx.add.f32.msk $0xffff, v7  }
0xb1: {  	v7 =	vadd.s32 $0x2800, v16;
	v10 =	vshll.u32 v9, $0x10;
	v11 =	vld.idx.msk [tilespmem:v11+s2+$0x0], $0xffff  }
0xb2: {  	v9 =	vand.u32 $0xFFFF0000, v9;
	[tilespmem:v20+s15+$0x0] =	vst.idx.add.f32.msk $0xffff, v10;
	v10 =	vadd.s32 $0x5000, v1  }
0xb3: {  	[tilespmem:v12+s15+$0x0] =	vst.idx.add.f32.msk $0xffff, v9;
	v9 =	vadd.s32 $0xF000, v1  }
0xb4: {  	v4 =	vadd.s32 $0x7800, v4;
	v5 =	vld.idx.msk [tilespmem:v5+s2+$0x0], $0xffff  }
0xb5: {  	v12 =	vadd.s32 $0x2800, v2;
	v3 =	vld.idx.msk [tilespmem:v3+s2+$0x0], $0xffff  }
0xb6: {  	v13 =	vadd.s32 $0xC800, v2;
	v7 =	vld.idx.msk [tilespmem:v7+s2+$0x0], $0xffff;
	v14 =	vshll.u32 v11, $0x10  }
0xb7: {  	v15 =	vadd.s32 $0x2800, v19;
	v11 =	vand.u32 $0xFFFF0000, v11;
	[tilespmem:v10+s15+$0x0] =	vst.idx.add.f32.msk $0xffff, v14  }
0xb8: {  	v17 =	vadd.s32 $0x5000, v6;
	[tilespmem:v9+s15+$0x0] =	vst.idx.add.f32.msk $0xffff, v11  }
0xb9: {  	v10 =	vadd.s32 $0xC800, v19;
	v11 =	vshll.u32 v5, $0x10;
	v4 =	vld.idx.msk [tilespmem:v4+s2+$0x0], $0xffff  }
0xba: {  	v9 =	vadd.s32 $0x2800, v20;
	v5 =	vand.u32 $0xFFFF0000, v5;
	[tilespmem:v12+s15+$0x0] =	vst.idx.add.f32.msk $0xffff, v11  }
0xbb: {  	v21 =	vadd.s32 $0x5000, v8;
	v11 =	vshll.u32 v3, $0x10;
	[tilespmem:v13+s15+$0x0] =	vst.idx.add.f32.msk $0xffff, v5  }
0xbc: {  	v14 =	vadd.s32 $0xC800, v20;
	[tilespmem:v15+s15+$0x0] =	vst.idx.add.f32.msk $0xffff, v11  }
0xbd: {  	v22 =	vadd.s32 $0x5000, v16;
	v3 =	vand.u32 $0xFFFF0000, v3;
	v18 =	vld.idx.msk [tilespmem:v17+s2+$0x0], $0xffff  }
0xbe: {  	v8 =	vadd.s32 $0x7800, v8;
	v5 =	vadd.s32 $0x7800, v1;
	v11 =	vshll.u32 v7, $0x10;
	[tilespmem:v10+s15+$0x0] =	vst.idx.add.f32.msk $0xffff, v3  }
0xbf: {  	v12 =	vadd.s32 $0xF000, v19;
	v1 =	vadd.s32 $0x11800, v1;
	v15 =	vadd.s32 $0x5000, v2;
	[tilespmem:v9+s15+$0x0] =	vst.idx.add.f32.msk $0xffff, v11  }
0xc0: {  	v13 =	vadd.s32 $0x5000, v19;
	v3 =	vand.u32 $0xFFFF0000, v7;
	v7 =	vadd.s32 $0x7800, v6;
	v17 =	vld.idx.msk [tilespmem:v21+s2+$0x0], $0xffff  }
0xc1: {  	v10 =	vadd.s32 $0xF000, v20;
	v6 =	vadd.s32 $0x7800, v2;
	v11 =	vadd.s32 $0x5000, v20;
	[tilespmem:v14+s15+$0x0] =	vst.idx.add.f32.msk $0xffff, v3  }
0xc2: {  	v9 =	vadd.s32 $0x7800, v16;
	v3 =	vshll.u32 v4, $0x10;
	v14 =	vadd.s32 $0xF000, v2;
	v16 =	vld.idx.msk [tilespmem:v22+s2+$0x0], $0xffff  }
0xc3: {  	v4 =	vand.u32 $0xFFFF0000, v4;
	[tilespmem:v5+s15+$0x0] =	vst.idx.add.f32.msk $0xffff, v3;
	v3 =	vadd.s32 $0x7800, v19;
	v5 =	vadd.s32 $0x11800, v19  }
0xc4: {  	s21 =	simm.s32 $0x0;
	s22 =	simm.s32 $0x1E460;
	[tilespmem:v1+s15+$0x0] =	vst.idx.add.f32.msk $0xffff, v4;
	v4 =	vadd.s32 $0x11800, v2;
	v2 =	vadd.s32 $0x7800, v20;
	v1 =	vadd.s32 $0x11800, v20  }
.LBB2_7:
0xc5: {  	v19 =	vld [tilespmem:s22+$0x10];
	v20 =	vshll.u32 v18, $0x10;
	v18 =	vand.u32 $0xFFFF0000, v18  }
0xc6: {  	v22 =	vshll.u32 v17, $0x10;
	v17 =	vand.u32 $0xFFFF0000, v17;
	v21 =	vld [tilespmem:s22+$0xFFFFFFF0]  }
0xc7: {  	v24 =	vshll.u32 v16, $0x10;
	v16 =	vand.u32 $0xFFFF0000, v16;
	v23 =	vld [tilespmem:s22+$0x0]  }
0xc8: {  	v25 =	vld [tilespmem:s22+$0xFFFFFFE0]  }
0xc9: {  	s21 =	sadd.s32 $0x4, s21;
	[tilespmem:v15+s15+$0x0] =	vst.idx.add.f32.msk $0xffff, v20  }
0xca: {  	p0 =	slt.u32 s21, $0x3C;
	v20 =	vand.u32 $0x3FFF, v19;
	[tilespmem:v14+s15+$0x0] =	vst.idx.add.f32.msk $0xffff, v18  }
0xcb: {  	v18 =	vshrl.u32 v21, $0xE;
	v21 =	vand.u32 $0x3FFF, v21;
	[tilespmem:v13+s15+$0x0] =	vst.idx.add.f32.msk $0xffff, v22  }
0xcc: {  	v22 =	vadd.s32 $0xA000, v18;
	v26 =	vshrl.u32 v23, $0xE;
	v23 =	vand.u32 $0x3FFF, v23;
	[tilespmem:v12+s15+$0x0] =	vst.idx.add.f32.msk $0xffff, v17  }
0xcd: {  	v17 =	vshrl.u32 v25, $0xE;
	v25 =	vand.u32 $0x3FFF, v25;
	v27 =	vadd.s32 $0xA000, v26;
	[tilespmem:v11+s15+$0x0] =	vst.idx.add.f32.msk $0xffff, v24  }
0xce: {  	v29 =	vadd.s32 $0x2800, v21;
	v24 =	vadd.s32 $0xA000, v17;
	v28 =	vadd.s32 $0x2800, v25;
	[tilespmem:v10+s15+$0x0] =	vst.idx.add.f32.msk $0xffff, v16  }
0xcf: {  	v31 =	vadd.s32 $0x2800, v23;
	v16 =	vadd.s32 $0x2800, v17;
	v30 =	vadd.s32 $0xC800, v17;
	v32 =	vld.idx.msk [tilespmem:v20+s2+$0x0], $0xffff  }
0xd0: {  	v34 =	vadd.s32 $0x2800, v18;
	v35 =	vadd.s32 $0xC800, v18;
	v36 =	vadd.s32 $0x2800, v26;
	v33 =	vld.idx.msk [tilespmem:v21+s2+$0x0], $0xffff  }
0xd1: {  	v19 =	vshrl.u32 v19, $0xE;
	v39 =	vadd.s32 $0xC800, v26;
	v37 =	vadd.s32 $0x5000, v25;
	v38 =	vld.idx.msk [tilespmem:v23+s2+$0x0], $0xffff  }
0xd2: {  	v43 =	vadd.s32 $0xA000, v19;
	v41 =	vadd.s32 $0x5000, v21;
	v42 =	vadd.s32 $0x5000, v23;
	v40 =	vld.idx.msk [tilespmem:v25+s2+$0x0], $0xffff  }
0xd3: {  	v44 =	vadd.s32 $0x2800, v20;
	v15 =	vadd.s32 $0x5000, v17;
	v14 =	vadd.s32 $0xF000, v17;
	v45 =	vld.idx.msk [tilespmem:v7+s2+$0x0], $0xffff  }
0xd4: {  	v13 =	vadd.s32 $0x5000, v18;
	v12 =	vadd.s32 $0xF000, v18;
	v11 =	vadd.s32 $0x5000, v26;
	v46 =	vld.idx.msk [tilespmem:v8+s2+$0x0], $0xffff  }
0xd5: {  	v10 =	vadd.s32 $0xF000, v26;
	v7 =	vadd.s32 $0x7800, v25;
	v8 =	vshll.u32 v32, $0x10;
	v25 =	vld.idx.msk [tilespmem:v9+s2+$0x0], $0xffff  }
0xd6: {  	v47 =	vshll.u32 v33, $0x10;
	v33 =	vand.u32 $0xFFFF0000, v33;
	v9 =	vand.u32 $0xFFFF0000, v32;
	[tilespmem:v19+s15+$0x0] =	vst.idx.add.f32.msk $0xffff, v8  }
0xd7: {  	v8 =	vadd.s32 $0x7800, v21;
	v21 =	vshll.u32 v38, $0x10;
	v32 =	vand.u32 $0xFFFF0000, v38;
	[tilespmem:v43+s15+$0x0] =	vst.idx.add.f32.msk $0xffff, v9  }
0xd8: {  	v38 =	vshll.u32 v40, $0x10;
	v40 =	vand.u32 $0xFFFF0000, v40;
	v9 =	vadd.s32 $0x7800, v23;
	v23 =	vld.idx.msk [tilespmem:v44+s2+$0x0], $0xffff  }
0xd9: {  	v43 =	vshll.u32 v45, $0x10;
	v44 =	vand.u32 $0xFFFF0000, v45;
	[tilespmem:v17+s15+$0x0] =	vst.idx.add.f32.msk $0xffff, v38;
	v38 =	vadd.s32 $0x7800, v17  }
0xda: {  	v45 =	vand.u32 $0xFFFF0000, v46;
	[tilespmem:v24+s15+$0x0] =	vst.idx.add.f32.msk $0xffff, v40;
	v24 =	vadd.s32 $0x2800, v19;
	v40 =	vshll.u32 v46, $0x10  }
0xdb: {  	v46 =	vadd.s32 $0xC800, v19;
	[tilespmem:v18+s15+$0x0] =	vst.idx.add.f32.msk $0xffff, v47;
	v47 =	vshll.u32 v25, $0x10;
	v25 =	vand.u32 $0xFFFF0000, v25  }
0xdc: {  	v17 =	vadd.s32 $0x11800, v17;
	[tilespmem:v22+s15+$0x0] =	vst.idx.add.f32.msk $0xffff, v33;
	v22 =	vadd.s32 $0x7800, v18;
	v33 =	vadd.s32 $0x5000, v20  }
0xdd: {  	v48 =	vadd.s32 $0x11800, v18;
	[tilespmem:v26+s15+$0x0] =	vst.idx.add.f32.msk $0xffff, v21;
	v21 =	vadd.s32 $0x7800, v26;
	v26 =	vadd.s32 $0x11800, v26  }
0xde: {  	v18 =	vshll.u32 v23, $0x10;
	[tilespmem:v27+s15+$0x0] =	vst.idx.add.f32.msk $0xffff, v32  }
0xdf: {  	v23 =	vand.u32 $0xFFFF0000, v23;
	[tilespmem:v24+s15+$0x0] =	vst.idx.add.f32.msk $0xffff, v18  }
0xe0: {  	[tilespmem:v46+s15+$0x0] =	vst.idx.add.f32.msk $0xffff, v23  }
0xe1: {  	v18 =	vld.idx.msk [tilespmem:v33+s2+$0x0], $0xffff  }
0xe2: {  	v23 =	vld.idx.msk [tilespmem:v28+s2+$0x0], $0xffff  }
0xe3: {  	v27 =	vadd.s32 $0x5000, v19;
	v24 =	vld.idx.msk [tilespmem:v29+s2+$0x0], $0xffff  }
0xe4: {  	v29 =	vadd.s32 $0xF000, v19;
	v28 =	vld.idx.msk [tilespmem:v31+s2+$0x0], $0xffff  }
0xe5: {  	v20 =	vadd.s32 $0x7800, v20;
	[tilespmem:v6+s15+$0x0] =	vst.idx.add.f32.msk $0xffff, v43;
	v6 =	vmov v38  }
0xe6: {  	[tilespmem:v4+s15+$0x0] =	vst.idx.add.f32.msk $0xffff, v44;
	v4 =	vmov v17  }
0xe7: {  	v17 =	vshll.u32 v18, $0x10;
	[tilespmem:v3+s15+$0x0] =	vst.idx.add.f32.msk $0xffff, v40;
	v3 =	vmov v22  }
0xe8: {  	v18 =	vand.u32 $0xFFFF0000, v18;
	v22 =	vshll.u32 v23, $0x10;
	v23 =	vand.u32 $0xFFFF0000, v23;
	[tilespmem:v27+s15+$0x0] =	vst.idx.add.f32.msk $0xffff, v17  }
0xe9: {  	v17 =	vshll.u32 v24, $0x10;
	v24 =	vand.u32 $0xFFFF0000, v24;
	[tilespmem:v29+s15+$0x0] =	vst.idx.add.f32.msk $0xffff, v18  }
0xea: {  	v18 =	vshll.u32 v28, $0x10;
	v27 =	vand.u32 $0xFFFF0000, v28;
	v20 =	vld.idx.msk [tilespmem:v20+s2+$0x0], $0xffff  }
0xeb: {  	[tilespmem:v16+s15+$0x0] =	vst.idx.add.f32.msk $0xffff, v22  }
0xec: {  	v16 =	vadd.s32 $0x7800, v19;
	[tilespmem:v30+s15+$0x0] =	vst.idx.add.f32.msk $0xffff, v23  }
0xed: {  	[tilespmem:v34+s15+$0x0] =	vst.idx.add.f32.msk $0xffff, v17;
	v17 =	vadd.s32 $0x11800, v19  }
0xee: {  	[tilespmem:v35+s15+$0x0] =	vst.idx.add.f32.msk $0xffff, v24  }
0xef: {  	[tilespmem:v36+s15+$0x0] =	vst.idx.add.f32.msk $0xffff, v18  }
0xf0: {  	v18 =	vshll.u32 v20, $0x10;
	[tilespmem:v39+s15+$0x0] =	vst.idx.add.f32.msk $0xffff, v27  }
0xf1: {  	v19 =	vand.u32 $0xFFFF0000, v20;
	[tilespmem:v16+s15+$0x0] =	vst.idx.add.f32.msk $0xffff, v18  }
0xf2: {  	[tilespmem:v17+s15+$0x0] =	vst.idx.add.f32.msk $0xffff, v19  }
0xf3: {  	v18 =	vld.idx.msk [tilespmem:v37+s2+$0x0], $0xffff  }
.Ltmp2:
0xf4: {  	v17 =	vld.idx.msk [tilespmem:v41+s2+$0x0], $0xffff;
	(pc) =	sbr.rel @p0 .LBB2_7-.Ltmp2, $4  }
0xf5: {  	v16 =	vld.idx.msk [tilespmem:v42+s2+$0x0], $0xffff  }
0xf6: {  	[tilespmem:v5+s15+$0x0] =	vst.idx.add.f32.msk $0xffff, v45;
	v5 =	vmov v48  }
0xf7: {  	[tilespmem:v2+s15+$0x0] =	vst.idx.add.f32.msk $0xffff, v47;
	v2 =	vmov v21  }
0xf8: {  	s22 =	sadd.s32 $0x40, s22;
	[tilespmem:v1+s15+$0x0] =	vst.idx.add.f32.msk $0xffff, v25;
	v1 =	vmov v26  }
0xf9: {  	_ =	sdelay $0x2  }
0xfa: {  	v19 =	vshll.u32 v18, $0x10  }
0xfb: {  	v56 =	vshll.u32 v17, $0x10;
	[tilespmem:v15+s15+$0x0] =	vst.idx.add.f32.msk $0xffff, v19  }
0xfc: {  	v55 =	vand.u32 $0xFFFF0000, v18;
	[tilespmem:v13+s15+$0x0] =	vst.idx.add.f32.msk $0xffff, v56  }
0xfd: {  	v57 =	vand.u32 $0xFFFF0000, v17;
	[tilespmem:v14+s15+$0x0] =	vst.idx.add.f32.msk $0xffff, v55  }
0xfe: {  	[tilespmem:v12+s15+$0x0] =	vst.idx.add.f32.msk $0xffff, v57  }
0xff: {  	v7 =	vld.idx.msk [tilespmem:v7+s2+$0x0], $0xffff  }
0x100: {  	v58 =	vshll.u32 v16, $0x10;
	v8 =	vld.idx.msk [tilespmem:v8+s2+$0x0], $0xffff  }
0x101: {  	v59 =	vand.u32 $0xFFFF0000, v16;
	[tilespmem:v11+s15+$0x0] =	vst.idx.add.f32.msk $0xffff, v58  }
0x102: {  	[tilespmem:v10+s15+$0x0] =	vst.idx.add.f32.msk $0xffff, v59  }
0x103: {  	v9 =	vld.idx.msk [tilespmem:v9+s2+$0x0], $0xffff  }
0x104: {  	s20 =	sadd.s32 $0x1, s20;
	v60 =	vshll.u32 v7, $0x10  }
0x105: {  	p0 =	sne.s32 s20, $0x50;
	v61 =	vshll.u32 v8, $0x10;
	[tilespmem:v6+s15+$0x0] =	vst.idx.add.f32.msk $0xffff, v60  }
.Ltmp3:
0x106: {  	v7 =	vand.u32 $0xFFFF0000, v7;
	[tilespmem:v3+s15+$0x0] =	vst.idx.add.f32.msk $0xffff, v61;
	(pc) =	sbr.rel @p0 .LBB2_4-.Ltmp3, $4  }
0x107: {  	v62 =	vand.u32 $0xFFFF0000, v8;
	[tilespmem:v4+s15+$0x0] =	vst.idx.add.f32.msk $0xffff, v7  }
0x108: {  	v3 =	vshll.u32 v9, $0x10;
	[tilespmem:v5+s15+$0x0] =	vst.idx.add.f32.msk $0xffff, v62  }
0x109: {  	v63 =	vand.u32 $0xFFFF0000, v9;
	[tilespmem:v2+s15+$0x0] =	vst.idx.add.f32.msk $0xffff, v3  }
0x10a: {  	[tilespmem:v1+s15+$0x0] =	vst.idx.add.f32.msk $0xffff, v63  }
0x10b: {  	[hbm4b:s8+s2] =	stream.linear.scatter [tilespmem:s15], [sflag:$0x4], $0xA000, $0x38;
	[tilespmem:$0x1E800] =	vst v63  }
0x10c: {  	s19 =	sadd.s32 $0x1, s19;
	_ =	swait.ge [sflag:s17], $0xA000  }
0x10d: {  	p0 =	sne.s32 s19, s10;
	[sflag:s17] =	ssyncset.done $0x0  }
.Ltmp4:
0x10e: {  	[sflag:s17] =	ssyncadd.s32 $0xFFFF6000;
	(pc) =	sbr.rel @p0 .LBB2_1-.Ltmp4, $4  }
0x10f: {  	[hbm4b:s9+s2] =	stream.linear.scatter [tilespmem:s18], [sflag:$0x4], $0xA000, $0x38;
	[tilespmem:$0x1E800] =	vst v63  }
0x110: {  	_ =	swait.ge [sflag:s17], $0xA000  }
0x111: {  	[sflag:s17] =	ssyncset.done $0x0  }
0x112: {  	[sflag:s17] =	ssyncadd.s32 $0xFFFF6000  }
0x113: {  	_ =	sfence.sel $0x180000  }
0x114: {  	[bflag:$0x0] =	sbarrier.arrive $0xFFFF  }
0x115: {  	p0 =	sne.s32 s1, $0x0;
	_ =	strace $0x9000004A  }
0x116: {  	s0 =	sadd.s32 @!p0 $0x100000, s0;
	[bflag:$0x2] =	sbarrier.arrive $0xFFFF  }
0x117: {  	[sflag:s0] =	ssyncadd.tile.s32 @!p0 $0x1;
	_ =	shalt  }
.Lfunc_end2:
_tile_overlayer_lowered:
.L_overlay_start_2:
0x118: {  	(tag) =	ssettag $0x2  }
0x119: {  	s0 =	rddreg [dreg:$0x0];
	s2 =	stileid.u32  }
0x11a: {  	s1 =	rddreg [dreg:$0x1];
	p0 =	sne.s32 s2, $0x0  }
0x11b: {  	s3 =	rddreg [dreg:$0x2];
	[bflag:$0x3] =	sbarrier.arrive $0xFFFF;
	s2 =	simm.s32 @!p0 $0x1C04  }
0x11c: {  	[timem:s3], [sflag:s2] =	dma.local @!p0 [hbm:s0], s1  }
0x11d: {  	s0 =	simm.s32 @!p0 $0x4  }
0x11e: {  	_ =	swait.ge @!p0 [sflag:s0], s1  }
0x11f: {  	s1 =	ssub.s32 @!p0 $0x0, s1;
	[sflag:s0] =	ssyncset.done @!p0 $0x0  }
0x120: {  	[sflag:s0] =	ssyncadd.s32 @!p0 s1  }
0x121: {  	[bflag:$0x3] =	sbarrier.arrive $0xFFFF  }
0x122: {  	_ =	shalt  }

// kernel: kernel.14.cloned.1.call-start
scs
__scs_entry_jumppad:
0x0: {  	(pc) =	sbr.rel $0x88, $3  }
0x1: {  	(tag) =	ssettag $0x0;
	lr =	simm.s32 $0x1  }
0x2: {  	[smem:$0x3F9B] =	sst lr;
	_ =	strace $0xD0000000  }
0x3: {  	_ = 	snop  }
0x4: {  	_ = 	snop  }
0x5: {  	_ = 	snop  }
0x6: {  	_ = 	snop  }
0x7: {  	_ = 	snop  }
__scs_overlays_trampoline_lowered:
0x8: {  	[smem:$0x3FAA] =	sst s0  }
0x9: {  	[smem:$0x3FAB] =	sst s1  }
0xa: {  	[smem:$0x3FAC] =	sst s2  }
0xb: {  	[smem:$0x3FAD] =	sst s3  }
0xc: {  	[smem:$0x3FAE] =	sst s4  }
0xd: {  	[smem:$0x3FAF] =	sst s5  }
0xe: {  	[smem:$0x3FB0] =	sst s6  }
0xf: {  	[smem:$0x3FB1] =	sst s7  }
0x10: {  	[smem:$0x3FB2] =	sst s8  }
0x11: {  	[smem:$0x3FB3] =	sst s9;
	s0 =	simm.s32 @!p0 $0x0  }
0x12: {  	s1 =	sld [smem:$0x3F99];
	s0 =	simm.s32 @p0 $0x1  }
0x13: {  	[smem:$0x3FB4] =	sst s0;
	s0 =	simm.s32 @!p1 $0x0  }
0x14: {  	s2 =	sld [smem:$0x3F98];
	s0 =	simm.s32 @p1 $0x1  }
0x15: {  	[smem:$0x3FB5] =	sst s0;
	s0 =	simm.s32 @!p2 $0x0  }
0x16: {  	s3 =	sld [smem:$0x3FDB];
	s0 =	simm.s32 @p2 $0x1  }
0x17: {  	s4 =	simm.s32 $0x1BF5;
	[smem:$0x3FB7] =	sst s0  }
0x18: {  	s0 =	sld [smem:$0x3F9A];
	_ =	swait.ge [sflag:s4], $0x0  }
0x19: {  	s7 =	sld [smem:$0x3F9B]  }
0x1a: {  	s8 =	sadd.s32 $0xFFFFE003, lr  }
0x1b: {  	s9 =	sadd.s32 $0xFFFFFEF7, lr;
	s5 =	simm.s32 $0xFFFFFFFF;
	p2 =	slt.u32 s8, $0xFFFFF086  }
0x1c: {  	p1 =	slt.u32 s9, $0xF7A;
	s5 =	simm.s32 @!p2 $0x0  }
0x1d: {  	s5 =	simm.s32 @p1 $0x1;
	p0 =	seq.s32 s7, s2  }
0x1e: {  	s7 =	smul.u32 @!p0 $0xF7A, s2;
	p2 =	seq.s32 @!p0 s5, $0x0  }
0x1f: {  	s9 =	smul.u32 $0xF7A, s1;
	s8 =	simm.s32 @!p0 $0x1BF5;
	p2 =	por !p2, p0  }
0x20: {  	[sflag:s8] =	ssyncset.s32 @!p0 $0xFFFFF086;
	s6 =	sadd.s32 @!p0 s3, s7;
	s7 =	simm.s32 @!p0 $0x108  }
0x21: {  	s3 =	sadd.s32 s3, s9;
	s6 =	sadd.s32 @!p0 $0x88, s6;
	s7 =	simm.s32 @p2 $0x1082  }
0x22: {  	[simem:s7], [sflag:s8] =	dma.local @!p0 [hbm:s6], $0xF7A  }
0x23: {  	s9 =	sor.u32 $0xD0000000, s2;
	s6 =	simm.s32 $0x108;
	_ =	swait.ge @!p0 [sflag:s8], $0x0  }
0x24: {  	s3 =	sadd.s32 $0x88, s3;
	s6 =	simm.s32 @!p1 $0x1082;
	[sflag:s4] =	ssyncset.s32 $0xFFFFF086  }
0x25: {  	[simem:s6], [sflag:s4] =	dma.local [hbm:s3], $0xF7A  }
0x26: {  	[smem:$0x3F9B] =	sst s1;
	(tag) =	ssettag s2;
	_ =	strace s9  }
0x27: {  	s1 =	sld [smem:$0x3FAB]  }
0x28: {  	s2 =	sld [smem:$0x3FAC]  }
0x29: {  	s4 =	sld [smem:$0x3FAE]  }
0x2a: {  	p0 =	seq.s32 s5, $0x0;
	s5 =	sld [smem:$0x3FAF]  }
0x2b: {  	s6 =	sld [smem:$0x3FB0]  }
0x2c: {  	s7 =	sld [smem:$0x3FB1]  }
0x2d: {  	s3 =	simm.s32 $0x108;
	s8 =	sld [smem:$0x3FB2]  }
0x2e: {  	s3 =	simm.s32 @!p0 $0x1082;
	s9 =	sld [smem:$0x3FB3]  }
0x2f: {  	lr =	sadd.s32 s0, s3;
	s0 =	sld [smem:$0x3FAA]  }
0x30: {  	s3 =	sld [smem:$0x3FAD]  }
0x31: {  	[smem:$0x3FB6] =	sst s10  }
0x32: {  	s10 =	sld [smem:$0x3FB4];
	_ =	sdelay $0x3  }
0x33: {  	p0 =	seq.s32 s10, $0x1;
	s10 =	sld [smem:$0x3FB6];
	_ =	sdelay $0x3  }
0x34: {  	[smem:$0x3FB6] =	sst s10  }
0x35: {  	s10 =	sld [smem:$0x3FB5];
	_ =	sdelay $0x3  }
0x36: {  	p1 =	seq.s32 s10, $0x1;
	s10 =	sld [smem:$0x3FB6];
	_ =	sdelay $0x3  }
0x37: {  	[smem:$0x3FB6] =	sst s10  }
0x38: {  	s10 =	sld [smem:$0x3FB7]  }
0x39: {  	_ = 	snop;
	(pc) =	sbr.ind lr, $3  }
0x3a: {  	_ = 	snop  }
0x3b: {  	_ = 	snop  }
0x3c: {  	p2 =	seq.s32 s10, $0x1;
	s10 =	sld [smem:$0x3FB6]  }
0x3d: {  	_ =	shalt  }
0x3e: {  	_ =	shalt  }
0x3f: {  	_ =	shalt  }
0x40: {  	_ =	shalt  }
0x41: {  	_ =	shalt  }
0x42: {  	_ =	shalt  }
0x43: {  	_ =	shalt  }
0x44: {  	_ =	shalt  }
0x45: {  	_ =	shalt  }
0x46: {  	_ =	shalt  }
0x47: {  	_ =	shalt  }
0x48: {  	_ =	shalt  }
0x49: {  	_ =	shalt  }
0x4a: {  	_ =	shalt  }
0x4b: {  	_ =	shalt  }
0x4c: {  	_ =	shalt  }
0x4d: {  	_ =	shalt  }
0x4e: {  	_ =	shalt  }
0x4f: {  	_ =	shalt  }
0x50: {  	_ =	shalt  }
0x51: {  	_ =	shalt  }
0x52: {  	_ =	shalt  }
0x53: {  	_ =	shalt  }
0x54: {  	_ =	shalt  }
0x55: {  	_ =	shalt  }
0x56: {  	_ =	shalt  }
0x57: {  	_ =	shalt  }
0x58: {  	_ =	shalt  }
0x59: {  	_ =	shalt  }
0x5a: {  	_ =	shalt  }
0x5b: {  	_ =	shalt  }
0x5c: {  	_ =	shalt  }
0x5d: {  	_ =	shalt  }
0x5e: {  	_ =	shalt  }
0x5f: {  	_ =	shalt  }
0x60: {  	_ =	shalt  }
0x61: {  	_ =	shalt  }
0x62: {  	_ =	shalt  }
0x63: {  	_ =	shalt  }
0x64: {  	_ =	shalt  }
0x65: {  	_ =	shalt  }
0x66: {  	_ =	shalt  }
0x67: {  	_ =	shalt  }
0x68: {  	_ =	shalt  }
0x69: {  	_ =	shalt  }
0x6a: {  	_ =	shalt  }
0x6b: {  	_ =	shalt  }
0x6c: {  	_ =	shalt  }
0x6d: {  	_ =	shalt  }
0x6e: {  	_ =	shalt  }
0x6f: {  	_ =	shalt  }
0x70: {  	_ =	shalt  }
0x71: {  	_ =	shalt  }
0x72: {  	_ =	shalt  }
0x73: {  	_ =	shalt  }
0x74: {  	_ =	shalt  }
0x75: {  	_ =	shalt  }
0x76: {  	_ =	shalt  }
0x77: {  	_ =	shalt  }
0x78: {  	_ =	shalt  }
0x79: {  	_ =	shalt  }
0x7a: {  	_ =	shalt  }
0x7b: {  	_ =	shalt  }
0x7c: {  	_ =	shalt  }
0x7d: {  	_ =	shalt  }
0x7e: {  	_ =	shalt  }
0x7f: {  	_ =	shalt  }
0x80: {  	_ =	shalt  }
0x81: {  	_ =	shalt  }
0x82: {  	_ =	shalt  }
0x83: {  	_ =	shalt  }
0x84: {  	_ =	shalt  }
0x85: {  	_ =	shalt  }
0x86: {  	_ =	shalt  }
0x87: {  	_ =	shalt  }
.Lfunc_end0:
.L_simem_size_0:
called_computation.2_lowered:
.L_overlay_start_0:
0x88: {  	s2 =	sld [smem:$0x3FD9]  }
0x89: {  	s3 =	sld [smem:$0x3FFE];
	_ =	sdelay $0x1  }
0x8a: {  	s1 =	srdreg.scid  }
0x8b: {  	s0 =	sand.u32 $0x1, s1  }
0x8c: {  	s16 =	sshll.u32 s0, $0xA;
	s2 =	sadd.s32 s3, s2  }
0x8d: {  	s2 =	sadd.s32 s2, s16  }
0x8e: {  	[smem:$0x3FC2] =	sst s2  }
0x8f: {  	_ = 	snop  }
0x90: {  	(tm) =	ssettm $0x1  }
0x91: {  	s17 =	sld [smem:$0x3FFB];
	_ =	sdelay $0x3  }
0x92: {  	_ =	strace s17  }
0x93: {  	s2 =	sld [smem:$0x3FFC];
	_ =	sdelay $0x3  }
0x94: {  	_ =	strace s2  }
0x95: {  	s2 =	sld [smem:$0x3FFD];
	_ =	sdelay $0x3  }
0x96: {  	_ =	strace s2  }
0x97: {  	_ =	strace $0x8FFFFFFF  }
0x98: {  	s18 =	sld [smem:$0x3FDB];
	_ =	sdelay $0x1  }
0x99: {  	s19 =	simm.s32 $_scs_section_size  }
0x9a: {  	s4 =	simm.s32 $_size__tile_overlayer_lowered;
	s5 =	simm.s32 $_tile_overlayer_lowered  }
0x9b: {  	s22 =	simm.s32 $0x1BFF;
	s21 =	sshll.u32 s5, $0x1;
	s2 =	sadd.s32 s19, s18  }
0x9c: {  	s6 =	simm.s32 $0x0;
	s20 =	sshll.u32 s4, $0x1;
	s4 =	sadd.s32 s21, s2  }
0x9d: {  	[timem:s6], [sflag:s22] =	dma.local [hbm:s4], s20  }
0x9e: {  	_ =	swait.ge [sflag:s22], s20  }
0x9f: {  	s3 =	ssub.s32 $0x0, s20;
	[sflag:s22] =	ssyncset.done $0x0  }
0xa0: {  	[sflag:s22] =	ssyncadd.s32 s3;
	_ =	sdelay $0x1  }
0xa1: {  	s23 =	simm.s32 $0x1B8B  }
0xa2: {  	_ =	swait.ge [sflag:s23], $0x1  }
0xa3: {  	[sflag:s23] =	ssyncset.done $0x0  }
0xa4: {  	s25 =	simm.s32 $0x1B8E;
	s24 =	sld [smem:$0x3FFE];
	[sflag:s23] =	ssyncadd.s32 $0xFFFFFFFF  }
0xa5: {  	s26 =	simm.s32 $execute0_lowered;
	[smem:$0x3FD2] =	sst s25  }
0xa6: {  	s4 =	sshll.u32 s26, $0x1;
	_ =	strace $0x8000004C;
	[dreg:$0x1] =	wrdreg $0xFFFFFFFF  }
0xa7: {  	s28 =	simm.s32 $_size_execute0_lowered;
	s2 =	sadd.s32 s2, s4;
	[dreg:$0x0] =	wrdreg $0x0  }
0xa8: {  	s4 =	sshll.u32 s28, $0x1;
	[dreg:$0x2] =	wrdreg s2  }
0xa9: {  	[dreg:$0x3] =	wrdreg s4  }
0xaa: {  	[dreg:$0x4] =	wrdreg $0xC0  }
0xab: {  	_ =	task [dreg:s6], $0x5FFFF  }
0xac: {  	[dreg:$0x1] =	wrdreg $0xFFFFFFFF  }
0xad: {  	[dreg:$0x0] =	wrdreg $0x60  }
0xae: {  	[dreg:$0x2] =	wrdreg s24  }
0xaf: {  	[dreg:$0x3] =	wrdreg $0x9  }
0xb0: {  	_ =	task.clear_ibuf [dreg:s6], $0x4FFFF;
	_ =	strace $0x9000004C  }
0xb1: {  	s29 =	simm.s32 $0x9;
	_ =	strace $0x8000004E  }
0xb2: {  	_ =	swait.ge [sflag:s29], $0x1  }
0xb3: {  	[sflag:s29] =	ssyncadd.s32 $0xFFFFFFFF  }
0xb4: {  	_ =	strace $0x9000004E  }
0xb5: {  	_ =	sfence  }
0xb6: {  	s30 =	sld [smem:$0x0];
	_ =	sdelay $0x2  }
0xb7: {  	s31 =	sshll.u32 s1, $0xD;
	s1 =	sshrl.u32 s1, $0x2  }
0xb8: {  	s3 =	sand.u32 $0x4000, s31;
	s1 =	sadd.s32 s1, s30  }
0xb9: {  	s0 =	sor.u32 s3, s0;
	s1 =	sshll.u32 s1, $0x11  }
0xba: {  	s0 =	sor.u32 s1, s0  }
0xbb: {  	s0 =	sadd.s32 $0x8F2B, s0  }
0xbc: {  	[sflag:s0] =	ssyncadd.remote.s32 $0x1  }
0xbd: {  	_ =	sfence.sel $0xFFFF  }
0xbe: {  	[dreg:$0x0] =	wrdreg $0xFFFFFFFF;
	(pc) =	sbr.abs _section_cstart, $3  }
0xbf: {  	[dreg:$0x1] =	wrdreg $0xFFFFFFFF  }
0xc0: {  	_ =	task.clear_ibuf [dreg:s6], $0x2FFFF;
	_ =	strace $0x9FFFFFFF  }
0xc1: {  	(tm) =	ssettm $0x7FFFFFFF  }
tec
execute0_lowered:
.L_overlay_start_1:
0x0: {  	(tag) =	ssettag $0x1  }
0x1: {  	s0 =	srdreg.scid  }
0x2: {  	s4 =	sand.u32 $0x1, s0  }
0x3: {  	s0 =	stileid.u32;
	s1 =	sshll.u32 s4, $0x4  }
0x4: {  	s2 =	simm.s32 $0x1;
	s3 =	sand.u32 $0x7, s0;
	s1 =	sor.u32 s0, s1  }
0x5: {  	s5 =	rddreg [dreg:$0x0];
	p0 =	sne.s32 s3, $0x0;
	p1 =	seq.s32 s1, $0x0  }
0x6: {  	s13 =	simm.s32 $0x2;
	s14 =	simm.s32 $0x2800;
	p0 =	por !p0, !p1  }
0x7: {  	s15 =	simm.s32 $0x3;
	s16 =	simm.s32 $0x4;
	p0 =	por !p0, !p0  }
0x8: {  	s17 =	simm.s32 $0x0;
	s1 =	sshrl.u32 s1, $0x3;
	s2 =	simm.s32 @!p0 $0x0  }
0x9: {  	s9 =	ssub.s32 $0x2, s4;
	s4 =	simm.s32 $0x1;
	s6 =	ssub.s32 s1, s2  }
0xa: {  	s8 =	smul.u32 $0x500, s3;
	s31 =	sshrl.u32 s9, $0x1;
	s7 =	sshll.u32 s6, $0x3  }
0xb: {  	s2 =	simm.s32 $0x0;
	s10 =	smul.u32 $0x14000, s6;
	s3 =	sor.u32 s3, s7  }
0xc: {  	s12 =	ssub.s32 s9, s31;
	[smem:$0x7FF] =	sst s2;
	s7 =	smul.u32 $0x2800, s3  }
0xd: {  	s8 =	sadd.s32 s8, s5;
	s1 =	rddreg [dreg:$0x1];
	_ =	strace $0x8000004D  }
0xe: {  	s3 =	sadd.s32 $0xBC00, s5;
	s6 =	sshrl.u32 s10, $0x3;
	s7 =	sshrl.u32 s7, $0x3  }
0xf: {  	s6 =	sadd.s32 s3, s6;
	s11 =	sadd.s32 s7, s5;
	s5 =	sadd.s32 $0x1C00, s8  }
0x10: {  	s7 =	sor.u32 $0x400, s10;
	s8 =	sor.u32 $0x800, s10;
	s10 =	smax.u32 s12, $0x1  }
0x11: {  	v0 =	vimm.f32 $0.0e+00;
	s12 =	simm.s32 $0x5400;
	s9 =	sadd.s32 $0x15C00, s11;
	s11 =	simm.s32 $0x5000  }
.LBB2_1:
0x12: {  	[tilespmem:s2], [sflag:$0x1] =	stream.linear.gather [hbm4b:s5+s2], $0x2800, $0x38;
	[tilespmem:$0x5800] =	vst v63  }
0x13: {  	s18 =	simm.s32 $0x40;
	s19 =	simm.s32 $0x0  }
.LBB2_2:
0x14: {  	p0 =	sne.s32 s18, $0x9FC0;
	[tilespmem:s19+$0x2800] =	vst v0;
	s19 =	smov.u32 s18;
	s18 =	sadd.s32 $0x40, s18  }
.Ltmp0:
0x15: {  	(pc) =	sbr.rel @p0 .LBB2_2-.Ltmp0, $2  }
0x16: {  	_ =	sdelay $0x2  }
0x17: {  	s19 =	sshra.s32 s19, $0x2  }
0x18: {  	[tilespmem:s19+$0x2800] =	vst v0  }
0x19: {  	_ =	swait.ge [sflag:s4], $0x2800  }
0x1a: {  	[sflag:s4] =	ssyncset.done $0x0  }
0x1b: {  	s18 =	simm.s32 $0x0;
	[sflag:s4] =	ssyncadd.s32 $0xFFFFD800  }
0x1c: {  	[tilespmem:s11], [sflag:$0x2] =	stream.linear.gather [hbm4b:s6+s18], $0x400, $0x38;
	[tilespmem:$0x5800] =	vst v63  }
.LBB2_4:
0x1d: {  	s19 =	sshll.u32 s18, $0xB  }
0x1e: {  	s20 =	sadd.s32 s19, s7  }
0x1f: {  	s20 =	sshrl.u32 s20, $0x3  }
0x20: {  	s20 =	sadd.s32 s3, s20  }
0x21: {  	[tilespmem:s12], [sflag:$0x3] =	stream.linear.gather [hbm4b:s20+s2], $0x400, $0x38;
	[tilespmem:$0x5800] =	vst v63  }
0x22: {  	_ =	swait.ge [sflag:s13], $0x400  }
0x23: {  	[sflag:s13] =	ssyncset.done $0x0  }
0x24: {  	s30 =	simm.s32 $0x5020;
	[sflag:s13] =	ssyncadd.s32 $0xFFFFFC00  }
0x25: {  	v1 =	vld [tilespmem:s30+$0x10]  }
0x26: {  	v2 =	vld [tilespmem:s30+$0xFFFFFFF0];
	_ =	sdelay $0x1  }
0x27: {  	v4 =	vld [tilespmem:s30+$0xFFFFFFE0]  }
0x28: {  	v5 =	vld [tilespmem:s30+$0x0]  }
0x29: {  	v3 =	vand.u32 $0x3FFF, v1  }
0x2a: {  	s31 =	simm.s32 $0x5060;
	v6 =	vand.u32 $0x3FFF, v2  }
0x2b: {  	v12 =	vld [tilespmem:s31+$0x10]  }
0x2c: {  	v9 =	vld [tilespmem:s31+$0xFFFFFFF0];
	v7 =	vand.u32 $0x3FFF, v4  }
0x2d: {  	v13 =	vld [tilespmem:s31+$0xFFFFFFE0];
	v10 =	vand.u32 $0x3FFF, v5  }
0x2e: {  	v1 =	vshrl.u32 v1, $0xE;
	v3 =	vld.idx.msk [tilespmem:v3+s2+$0x0], $0xffff  }
0x2f: {  	v2 =	vshrl.u32 v2, $0xE;
	v6 =	vld.idx.msk [tilespmem:v6+s2+$0x0], $0xffff  }
0x30: {  	v11 =	vld [tilespmem:s31+$0x0];
	v14 =	vand.u32 $0x3FFF, v12  }
0x31: {  	v15 =	vand.u32 $0x3FFF, v9;
	v8 =	vld.idx.msk [tilespmem:v7+s2+$0x0], $0xffff  }
0x32: {  	v7 =	vld.idx.msk [tilespmem:v10+s2+$0x0], $0xffff  }
0x33: {  	[tilespmem:v1+s14+$0x0] =	vst.idx.add.f32.msk $0xffff, v3  }
0x34: {  	v12 =	vshrl.u32 v12, $0xE;
	v10 =	vand.u32 $0x3FFF, v13;
	[tilespmem:v2+s14+$0x0] =	vst.idx.add.f32.msk $0xffff, v6  }
0x35: {  	v1 =	vshrl.u32 v5, $0xE;
	v2 =	vshrl.u32 v11, $0xE;
	v6 =	vand.u32 $0x3FFF, v11;
	v11 =	vld.idx.msk [tilespmem:v14+s2+$0x0], $0xffff  }
0x36: {  	s21 =	simm.s32 $0x50A0;
	s20 =	simm.s32 $0x4;
	v3 =	vshrl.u32 v4, $0xE;
	v4 =	vshrl.u32 v9, $0xE;
	v5 =	vshrl.u32 v13, $0xE;
	v9 =	vld.idx.msk [tilespmem:v15+s2+$0x0], $0xffff  }
.LBB2_5:
0x37: {  	v13 =	vld [tilespmem:s21+$0x10];
	s20 =	sadd.s32 $0x4, s20;
	v14 =	vmov v7  }
0x38: {  	v7 =	vld [tilespmem:s21+$0xFFFFFFF0];
	p0 =	slt.u32 s20, $0x3C  }
0x39: {  	v15 =	vld [tilespmem:s21+$0x0]  }
0x3a: {  	v16 =	vld [tilespmem:s21+$0xFFFFFFE0]  }
0x3b: {  	[tilespmem:v12+s14+$0x0] =	vst.idx.add.f32.msk $0xffff, v11  }
0x3c: {  	v11 =	vand.u32 $0x3FFF, v13;
	v17 =	vld.idx.msk [tilespmem:v10+s2+$0x0], $0xffff  }
0x3d: {  	v12 =	vshrl.u32 v7, $0xE;
	v18 =	vand.u32 $0x3FFF, v7;
	v7 =	vld.idx.msk [tilespmem:v6+s2+$0x0], $0xffff  }
.Ltmp1:
0x3e: {  	v19 =	vshrl.u32 v15, $0xE;
	v6 =	vand.u32 $0x3FFF, v15;
	[tilespmem:v3+s14+$0x0] =	vst.idx.add.f32.msk $0xffff, v8;
	v3 =	vmov v5;
	(pc) =	sbr.rel @p0 .LBB2_5-.Ltmp1, $4  }
0x3f: {  	v5 =	vshrl.u32 v16, $0xE;
	v10 =	vand.u32 $0x3FFF, v16;
	[tilespmem:v4+s14+$0x0] =	vst.idx.add.f32.msk $0xffff, v9;
	v4 =	vmov v12  }
0x40: {  	[tilespmem:v1+s14+$0x0] =	vst.idx.add.f32.msk $0xffff, v14;
	v1 =	vmov v2;
	v2 =	vmov v19  }
0x41: {  	v11 =	vld.idx.msk [tilespmem:v11+s2+$0x0], $0xffff  }
0x42: {  	s21 =	sadd.s32 $0x40, s21;
	v12 =	vshrl.u32 v13, $0xE;
	v8 =	vmov v17;
	v9 =	vld.idx.msk [tilespmem:v18+s2+$0x0], $0xffff  }
0x43: {  	_ =	sdelay $0x3  }
0x44: {  	v10 =	vld.idx.msk [tilespmem:v10+s2+$0x0], $0xffff  }
0x45: {  	v6 =	vld.idx.msk [tilespmem:v6+s2+$0x0], $0xffff  }
0x46: {  	[tilespmem:v3+s14+$0x0] =	vst.idx.add.f32.msk $0xffff, v8  }
0x47: {  	[tilespmem:v1+s14+$0x0] =	vst.idx.add.f32.msk $0xffff, v7  }
0x48: {  	p0 =	seq.s32 s18, $0x27;
	[tilespmem:v12+s14+$0x0] =	vst.idx.add.f32.msk $0xffff, v11  }
0x49: {  	s19 =	sadd.s32 @!p0 s19, s8;
	[tilespmem:v4+s14+$0x0] =	vst.idx.add.f32.msk $0xffff, v9  }
0x4a: {  	s19 =	sshrl.u32 @!p0 s19, $0x3;
	[tilespmem:v5+s14+$0x0] =	vst.idx.add.f32.msk $0xffff, v10  }
0x4b: {  	s20 =	simm.s32 @!p0 $0x0;
	s21 =	simm.s32 @!p0 $0x5000;
	s19 =	sadd.s32 @!p0 s3, s19;
	[tilespmem:v2+s14+$0x0] =	vst.idx.add.f32.msk $0xffff, v6  }
0x4c: {  	[tilespmem:s21], [sflag:$0x2] =	stream.linear.gather @!p0 [hbm4b:s19+s20], $0x400, $0x38;
	[tilespmem:$0x5800] =	vst v63  }
0x4d: {  	_ =	swait.ge [sflag:s15], $0x400  }
0x4e: {  	[sflag:s15] =	ssyncset.done $0x0  }
0x4f: {  	s30 =	simm.s32 $0x5420;
	[sflag:s15] =	ssyncadd.s32 $0xFFFFFC00  }
0x50: {  	v1 =	vld [tilespmem:s30+$0x10]  }
0x51: {  	v2 =	vld [tilespmem:s30+$0xFFFFFFF0];
	_ =	sdelay $0x1  }
0x52: {  	v4 =	vld [tilespmem:s30+$0xFFFFFFE0]  }
0x53: {  	v5 =	vld [tilespmem:s30+$0x0]  }
0x54: {  	v3 =	vand.u32 $0x3FFF, v1  }
0x55: {  	s31 =	simm.s32 $0x5460;
	v6 =	vand.u32 $0x3FFF, v2  }
0x56: {  	v12 =	vld [tilespmem:s31+$0x10]  }
0x57: {  	v9 =	vld [tilespmem:s31+$0xFFFFFFF0];
	v7 =	vand.u32 $0x3FFF, v4  }
0x58: {  	v13 =	vld [tilespmem:s31+$0xFFFFFFE0];
	v10 =	vand.u32 $0x3FFF, v5  }
0x59: {  	v1 =	vshrl.u32 v1, $0xE;
	v3 =	vld.idx.msk [tilespmem:v3+s2+$0x0], $0xffff  }
0x5a: {  	v2 =	vshrl.u32 v2, $0xE;
	v6 =	vld.idx.msk [tilespmem:v6+s2+$0x0], $0xffff  }
0x5b: {  	v11 =	vld [tilespmem:s31+$0x0];
	v14 =	vand.u32 $0x3FFF, v12  }
0x5c: {  	v15 =	vand.u32 $0x3FFF, v9;
	v8 =	vld.idx.msk [tilespmem:v7+s2+$0x0], $0xffff  }
0x5d: {  	v7 =	vld.idx.msk [tilespmem:v10+s2+$0x0], $0xffff  }
0x5e: {  	[tilespmem:v1+s14+$0x0] =	vst.idx.add.f32.msk $0xffff, v3  }
0x5f: {  	v12 =	vshrl.u32 v12, $0xE;
	v10 =	vand.u32 $0x3FFF, v13;
	[tilespmem:v2+s14+$0x0] =	vst.idx.add.f32.msk $0xffff, v6  }
0x60: {  	v1 =	vshrl.u32 v5, $0xE;
	v2 =	vshrl.u32 v11, $0xE;
	v6 =	vand.u32 $0x3FFF, v11;
	v11 =	vld.idx.msk [tilespmem:v14+s2+$0x0], $0xffff  }
0x61: {  	s19 =	simm.s32 $0x4;
	s20 =	simm.s32 $0x54A0;
	v3 =	vshrl.u32 v4, $0xE;
	v4 =	vshrl.u32 v9, $0xE;
	v5 =	vshrl.u32 v13, $0xE;
	v9 =	vld.idx.msk [tilespmem:v15+s2+$0x0], $0xffff  }
.LBB2_7:
0x62: {  	v13 =	vld [tilespmem:s20+$0x10];
	s19 =	sadd.s32 $0x4, s19;
	v14 =	vmov v7  }
0x63: {  	v7 =	vld [tilespmem:s20+$0xFFFFFFF0];
	p0 =	slt.u32 s19, $0x3C  }
0x64: {  	v15 =	vld [tilespmem:s20+$0x0]  }
0x65: {  	v16 =	vld [tilespmem:s20+$0xFFFFFFE0]  }
0x66: {  	[tilespmem:v12+s14+$0x0] =	vst.idx.add.f32.msk $0xffff, v11  }
0x67: {  	v11 =	vand.u32 $0x3FFF, v13;
	v17 =	vld.idx.msk [tilespmem:v10+s2+$0x0], $0xffff  }
0x68: {  	v12 =	vshrl.u32 v7, $0xE;
	v18 =	vand.u32 $0x3FFF, v7;
	v7 =	vld.idx.msk [tilespmem:v6+s2+$0x0], $0xffff  }
.Ltmp2:
0x69: {  	v19 =	vshrl.u32 v15, $0xE;
	v6 =	vand.u32 $0x3FFF, v15;
	[tilespmem:v3+s14+$0x0] =	vst.idx.add.f32.msk $0xffff, v8;
	v3 =	vmov v5;
	(pc) =	sbr.rel @p0 .LBB2_7-.Ltmp2, $4  }
0x6a: {  	v5 =	vshrl.u32 v16, $0xE;
	v10 =	vand.u32 $0x3FFF, v16;
	[tilespmem:v4+s14+$0x0] =	vst.idx.add.f32.msk $0xffff, v9;
	v4 =	vmov v12  }
0x6b: {  	[tilespmem:v1+s14+$0x0] =	vst.idx.add.f32.msk $0xffff, v14;
	v1 =	vmov v2;
	v2 =	vmov v19  }
0x6c: {  	v11 =	vld.idx.msk [tilespmem:v11+s2+$0x0], $0xffff  }
0x6d: {  	s20 =	sadd.s32 $0x40, s20;
	v12 =	vshrl.u32 v13, $0xE;
	v8 =	vmov v17;
	v9 =	vld.idx.msk [tilespmem:v18+s2+$0x0], $0xffff  }
0x6e: {  	_ =	sdelay $0x3  }
0x6f: {  	v10 =	vld.idx.msk [tilespmem:v10+s2+$0x0], $0xffff  }
0x70: {  	v6 =	vld.idx.msk [tilespmem:v6+s2+$0x0], $0xffff;
	s18 =	sadd.s32 $0x1, s18  }
0x71: {  	[tilespmem:v3+s14+$0x0] =	vst.idx.add.f32.msk $0xffff, v8;
	p0 =	sne.s32 s18, $0x28  }
.Ltmp3:
0x72: {  	[tilespmem:v1+s14+$0x0] =	vst.idx.add.f32.msk $0xffff, v7;
	(pc) =	sbr.rel @p0 .LBB2_4-.Ltmp3, $4  }
0x73: {  	[tilespmem:v12+s14+$0x0] =	vst.idx.add.f32.msk $0xffff, v11  }
0x74: {  	[tilespmem:v4+s14+$0x0] =	vst.idx.add.f32.msk $0xffff, v9  }
0x75: {  	[tilespmem:v5+s14+$0x0] =	vst.idx.add.f32.msk $0xffff, v10  }
0x76: {  	[tilespmem:v2+s14+$0x0] =	vst.idx.add.f32.msk $0xffff, v6  }
0x77: {  	s17 =	sadd.s32 $0x1, s17  }
0x78: {  	p0 =	sne.s32 s17, s10  }
.Ltmp4:
0x79: {  	_ = 	snop;
	(pc) =	sbr.rel @p0 .LBB2_1-.Ltmp4, $4  }
0x7a: {  	[hbm4b:s9+s2] =	stream.linear.scatter [tilespmem:s14], [sflag:$0x4], $0x2800, $0x38;
	[tilespmem:$0x5800] =	vst v63  }
0x7b: {  	_ =	swait.ge [sflag:s16], $0x2800  }
0x7c: {  	[sflag:s16] =	ssyncset.done $0x0  }
0x7d: {  	[sflag:s16] =	ssyncadd.s32 $0xFFFFD800  }
0x7e: {  	_ =	sfence.sel $0x180000  }
0x7f: {  	[bflag:$0x0] =	sbarrier.arrive $0xFFFF  }
0x80: {  	p0 =	sne.s32 s0, $0x0;
	_ =	strace $0x9000004D  }
0x81: {  	s0 =	sadd.s32 @!p0 $0x100000, s1;
	[bflag:$0x2] =	sbarrier.arrive $0xFFFF  }
0x82: {  	[sflag:s0] =	ssyncadd.tile.s32 @!p0 $0x1;
	_ =	shalt  }
.Lfunc_end2:
_tile_overlayer_lowered:
.L_overlay_start_2:
0x83: {  	(tag) =	ssettag $0x2  }
0x84: {  	s0 =	rddreg [dreg:$0x0];
	s2 =	stileid.u32  }
0x85: {  	s1 =	rddreg [dreg:$0x1];
	p0 =	sne.s32 s2, $0x0  }
0x86: {  	s3 =	rddreg [dreg:$0x2];
	[bflag:$0x3] =	sbarrier.arrive $0xFFFF;
	s2 =	simm.s32 @!p0 $0x1C04  }
0x87: {  	[timem:s3], [sflag:s2] =	dma.local @!p0 [hbm:s0], s1  }
0x88: {  	s0 =	simm.s32 @!p0 $0x4  }
0x89: {  	_ =	swait.ge @!p0 [sflag:s0], s1  }
0x8a: {  	s1 =	ssub.s32 @!p0 $0x0, s1;
	[sflag:s0] =	ssyncset.done @!p0 $0x0  }
0x8b: {  	[sflag:s0] =	ssyncadd.s32 @!p0 s1  }
0x8c: {  	[bflag:$0x3] =	sbarrier.arrive $0xFFFF  }
0x8d: {  	_ =	shalt  }

// kernel: kernel.8.cloned.1.call-start
scs
__scs_entry_jumppad:
0x0: {  	(pc) =	sbr.rel $0x88, $3  }
0x1: {  	(tag) =	ssettag $0x0;
	lr =	simm.s32 $0x1  }
0x2: {  	[smem:$0x3F9B] =	sst lr;
	_ =	strace $0xD0000000  }
0x3: {  	_ = 	snop  }
0x4: {  	_ = 	snop  }
0x5: {  	_ = 	snop  }
0x6: {  	_ = 	snop  }
0x7: {  	_ = 	snop  }
__scs_overlays_trampoline_lowered:
0x8: {  	[smem:$0x3FAA] =	sst s0  }
0x9: {  	[smem:$0x3FAB] =	sst s1  }
0xa: {  	[smem:$0x3FAC] =	sst s2  }
0xb: {  	[smem:$0x3FAD] =	sst s3  }
0xc: {  	[smem:$0x3FAE] =	sst s4  }
0xd: {  	[smem:$0x3FAF] =	sst s5  }
0xe: {  	[smem:$0x3FB0] =	sst s6  }
0xf: {  	[smem:$0x3FB1] =	sst s7  }
0x10: {  	[smem:$0x3FB2] =	sst s8  }
0x11: {  	[smem:$0x3FB3] =	sst s9;
	s0 =	simm.s32 @!p0 $0x0  }
0x12: {  	s1 =	sld [smem:$0x3F99];
	s0 =	simm.s32 @p0 $0x1  }
0x13: {  	[smem:$0x3FB4] =	sst s0;
	s0 =	simm.s32 @!p1 $0x0  }
0x14: {  	s2 =	sld [smem:$0x3F98];
	s0 =	simm.s32 @p1 $0x1  }
0x15: {  	[smem:$0x3FB5] =	sst s0;
	s0 =	simm.s32 @!p2 $0x0  }
0x16: {  	s3 =	sld [smem:$0x3FDB];
	s0 =	simm.s32 @p2 $0x1  }
0x17: {  	s4 =	simm.s32 $0x1BF5;
	[smem:$0x3FB7] =	sst s0  }
0x18: {  	s0 =	sld [smem:$0x3F9A];
	_ =	swait.ge [sflag:s4], $0x0  }
0x19: {  	s7 =	sld [smem:$0x3F9B]  }
0x1a: {  	s8 =	sadd.s32 $0xFFFFE003, lr  }
0x1b: {  	s9 =	sadd.s32 $0xFFFFFEF7, lr;
	s5 =	simm.s32 $0xFFFFFFFF;
	p2 =	slt.u32 s8, $0xFFFFF086  }
0x1c: {  	p1 =	slt.u32 s9, $0xF7A;
	s5 =	simm.s32 @!p2 $0x0  }
0x1d: {  	s5 =	simm.s32 @p1 $0x1;
	p0 =	seq.s32 s7, s2  }
0x1e: {  	s7 =	smul.u32 @!p0 $0xF7A, s2;
	p2 =	seq.s32 @!p0 s5, $0x0  }
0x1f: {  	s9 =	smul.u32 $0xF7A, s1;
	s8 =	simm.s32 @!p0 $0x1BF5;
	p2 =	por !p2, p0  }
0x20: {  	[sflag:s8] =	ssyncset.s32 @!p0 $0xFFFFF086;
	s6 =	sadd.s32 @!p0 s3, s7;
	s7 =	simm.s32 @!p0 $0x108  }
0x21: {  	s3 =	sadd.s32 s3, s9;
	s6 =	sadd.s32 @!p0 $0x88, s6;
	s7 =	simm.s32 @p2 $0x1082  }
0x22: {  	[simem:s7], [sflag:s8] =	dma.local @!p0 [hbm:s6], $0xF7A  }
0x23: {  	s9 =	sor.u32 $0xD0000000, s2;
	s6 =	simm.s32 $0x108;
	_ =	swait.ge @!p0 [sflag:s8], $0x0  }
0x24: {  	s3 =	sadd.s32 $0x88, s3;
	s6 =	simm.s32 @!p1 $0x1082;
	[sflag:s4] =	ssyncset.s32 $0xFFFFF086  }
0x25: {  	[simem:s6], [sflag:s4] =	dma.local [hbm:s3], $0xF7A  }
0x26: {  	[smem:$0x3F9B] =	sst s1;
	(tag) =	ssettag s2;
	_ =	strace s9  }
0x27: {  	s1 =	sld [smem:$0x3FAB]  }
0x28: {  	s2 =	sld [smem:$0x3FAC]  }
0x29: {  	s4 =	sld [smem:$0x3FAE]  }
0x2a: {  	p0 =	seq.s32 s5, $0x0;
	s5 =	sld [smem:$0x3FAF]  }
0x2b: {  	s6 =	sld [smem:$0x3FB0]  }
0x2c: {  	s7 =	sld [smem:$0x3FB1]  }
0x2d: {  	s3 =	simm.s32 $0x108;
	s8 =	sld [smem:$0x3FB2]  }
0x2e: {  	s3 =	simm.s32 @!p0 $0x1082;
	s9 =	sld [smem:$0x3FB3]  }
0x2f: {  	lr =	sadd.s32 s0, s3;
	s0 =	sld [smem:$0x3FAA]  }
0x30: {  	s3 =	sld [smem:$0x3FAD]  }
0x31: {  	[smem:$0x3FB6] =	sst s10  }
0x32: {  	s10 =	sld [smem:$0x3FB4];
	_ =	sdelay $0x3  }
0x33: {  	p0 =	seq.s32 s10, $0x1;
	s10 =	sld [smem:$0x3FB6];
	_ =	sdelay $0x3  }
0x34: {  	[smem:$0x3FB6] =	sst s10  }
0x35: {  	s10 =	sld [smem:$0x3FB5];
	_ =	sdelay $0x3  }
0x36: {  	p1 =	seq.s32 s10, $0x1;
	s10 =	sld [smem:$0x3FB6];
	_ =	sdelay $0x3  }
0x37: {  	[smem:$0x3FB6] =	sst s10  }
0x38: {  	s10 =	sld [smem:$0x3FB7]  }
0x39: {  	_ = 	snop;
	(pc) =	sbr.ind lr, $3  }
0x3a: {  	_ = 	snop  }
0x3b: {  	_ = 	snop  }
0x3c: {  	p2 =	seq.s32 s10, $0x1;
	s10 =	sld [smem:$0x3FB6]  }
0x3d: {  	_ =	shalt  }
0x3e: {  	_ =	shalt  }
0x3f: {  	_ =	shalt  }
0x40: {  	_ =	shalt  }
0x41: {  	_ =	shalt  }
0x42: {  	_ =	shalt  }
0x43: {  	_ =	shalt  }
0x44: {  	_ =	shalt  }
0x45: {  	_ =	shalt  }
0x46: {  	_ =	shalt  }
0x47: {  	_ =	shalt  }
0x48: {  	_ =	shalt  }
0x49: {  	_ =	shalt  }
0x4a: {  	_ =	shalt  }
0x4b: {  	_ =	shalt  }
0x4c: {  	_ =	shalt  }
0x4d: {  	_ =	shalt  }
0x4e: {  	_ =	shalt  }
0x4f: {  	_ =	shalt  }
0x50: {  	_ =	shalt  }
0x51: {  	_ =	shalt  }
0x52: {  	_ =	shalt  }
0x53: {  	_ =	shalt  }
0x54: {  	_ =	shalt  }
0x55: {  	_ =	shalt  }
0x56: {  	_ =	shalt  }
0x57: {  	_ =	shalt  }
0x58: {  	_ =	shalt  }
0x59: {  	_ =	shalt  }
0x5a: {  	_ =	shalt  }
0x5b: {  	_ =	shalt  }
0x5c: {  	_ =	shalt  }
0x5d: {  	_ =	shalt  }
0x5e: {  	_ =	shalt  }
0x5f: {  	_ =	shalt  }
0x60: {  	_ =	shalt  }
0x61: {  	_ =	shalt  }
0x62: {  	_ =	shalt  }
0x63: {  	_ =	shalt  }
0x64: {  	_ =	shalt  }
0x65: {  	_ =	shalt  }
0x66: {  	_ =	shalt  }
0x67: {  	_ =	shalt  }
0x68: {  	_ =	shalt  }
0x69: {  	_ =	shalt  }
0x6a: {  	_ =	shalt  }
0x6b: {  	_ =	shalt  }
0x6c: {  	_ =	shalt  }
0x6d: {  	_ =	shalt  }
0x6e: {  	_ =	shalt  }
0x6f: {  	_ =	shalt  }
0x70: {  	_ =	shalt  }
0x71: {  	_ =	shalt  }
0x72: {  	_ =	shalt  }
0x73: {  	_ =	shalt  }
0x74: {  	_ =	shalt  }
0x75: {  	_ =	shalt  }
0x76: {  	_ =	shalt  }
0x77: {  	_ =	shalt  }
0x78: {  	_ =	shalt  }
0x79: {  	_ =	shalt  }
0x7a: {  	_ =	shalt  }
0x7b: {  	_ =	shalt  }
0x7c: {  	_ =	shalt  }
0x7d: {  	_ =	shalt  }
0x7e: {  	_ =	shalt  }
0x7f: {  	_ =	shalt  }
0x80: {  	_ =	shalt  }
0x81: {  	_ =	shalt  }
0x82: {  	_ =	shalt  }
0x83: {  	_ =	shalt  }
0x84: {  	_ =	shalt  }
0x85: {  	_ =	shalt  }
0x86: {  	_ =	shalt  }
0x87: {  	_ =	shalt  }
.Lfunc_end0:
.L_simem_size_0:
called_computation_lowered:
.L_overlay_start_0:
0x88: {  	s2 =	sld [smem:$0x3FD9]  }
0x89: {  	s3 =	sld [smem:$0x3FFE];
	_ =	sdelay $0x1  }
0x8a: {  	s1 =	srdreg.scid  }
0x8b: {  	s0 =	sand.u32 $0x1, s1  }
0x8c: {  	s17 =	sshll.u32 s0, $0xA;
	s2 =	sadd.s32 s3, s2  }
0x8d: {  	s2 =	sadd.s32 s2, s17  }
0x8e: {  	[smem:$0x3FC2] =	sst s2  }
0x8f: {  	_ = 	snop  }
0x90: {  	s2 =	sld [smem:$0x3FD0];
	(tm) =	ssettm $0x1  }
0x91: {  	s18 =	sld [smem:$0x3FFB];
	_ =	sdelay $0x3  }
0x92: {  	_ =	strace s18  }
0x93: {  	s3 =	sld [smem:$0x3FFC];
	_ =	sdelay $0x3  }
0x94: {  	_ =	strace s3  }
0x95: {  	s3 =	sld [smem:$0x3FFD];
	_ =	sdelay $0x3  }
0x96: {  	_ =	strace s3  }
0x97: {  	_ =	strace $0x8FFFFFFF  }
0x98: {  	s19 =	sld [smem:$0x3FDB];
	_ =	sdelay $0x1  }
0x99: {  	s4 =	simm.s32 $_scs_section_size  }
0x9a: {  	s5 =	simm.s32 $_size__tile_overlayer_lowered;
	s6 =	simm.s32 $_tile_overlayer_lowered  }
0x9b: {  	s22 =	simm.s32 $0x1BFF;
	s21 =	sshll.u32 s6, $0x1;
	s3 =	sadd.s32 s4, s19  }
0x9c: {  	s7 =	simm.s32 $0x0;
	s20 =	sshll.u32 s5, $0x1;
	s5 =	sadd.s32 s21, s3  }
0x9d: {  	[timem:s7], [sflag:s22] =	dma.local [hbm:s5], s20  }
0x9e: {  	_ =	swait.ge [sflag:s22], s20  }
0x9f: {  	s4 =	ssub.s32 $0x0, s20;
	[sflag:s22] =	ssyncset.done $0x0  }
0xa0: {  	[sflag:s22] =	ssyncadd.s32 s4;
	_ =	sdelay $0x1  }
0xa1: {  	s23 =	simm.s32 $0x1B8B  }
0xa2: {  	_ =	swait.ge [sflag:s23], $0x1  }
0xa3: {  	[sflag:s23] =	ssyncset.done $0x0  }
0xa4: {  	s25 =	simm.s32 $0x1B8E;
	s24 =	sld [smem:$0x3FFE];
	[sflag:s23] =	ssyncadd.s32 $0xFFFFFFFF  }
0xa5: {  	s26 =	simm.s32 $execute0_lowered;
	[smem:$0x3FD2] =	sst s25  }
0xa6: {  	s5 =	sshll.u32 s26, $0x1;
	_ =	strace $0x80000046;
	[dreg:$0x1] =	wrdreg $0xFFFFFFFF  }
0xa7: {  	s28 =	simm.s32 $_size_execute0_lowered;
	s3 =	sadd.s32 s3, s5;
	[dreg:$0x0] =	wrdreg $0x0  }
0xa8: {  	s5 =	sshll.u32 s28, $0x1;
	[dreg:$0x2] =	wrdreg s3  }
0xa9: {  	[dreg:$0x3] =	wrdreg s5  }
0xaa: {  	[dreg:$0x4] =	wrdreg $0xC0  }
0xab: {  	_ =	task [dreg:s7], $0x5FFFF  }
0xac: {  	[dreg:$0x1] =	wrdreg $0xFFFFFFFF  }
0xad: {  	[dreg:$0x0] =	wrdreg $0x60  }
0xae: {  	[dreg:$0x2] =	wrdreg s24  }
0xaf: {  	[dreg:$0x3] =	wrdreg s2  }
0xb0: {  	[dreg:$0x4] =	wrdreg $0x2B000  }
0xb1: {  	[dreg:$0x5] =	wrdreg $0x9  }
0xb2: {  	_ =	task.clear_ibuf [dreg:s7], $0x6FFFF;
	_ =	strace $0x90000046  }
0xb3: {  	s29 =	simm.s32 $0x9;
	_ =	strace $0x80000048  }
0xb4: {  	_ =	swait.ge [sflag:s29], $0x1  }
0xb5: {  	[sflag:s29] =	ssyncadd.s32 $0xFFFFFFFF  }
0xb6: {  	_ =	strace $0x90000048  }
0xb7: {  	_ =	sfence  }
0xb8: {  	s30 =	sld [smem:$0x0];
	_ =	sdelay $0x2  }
0xb9: {  	s31 =	sshll.u32 s1, $0xD;
	s1 =	sshrl.u32 s1, $0x2  }
0xba: {  	s3 =	sand.u32 $0x4000, s31;
	s1 =	sadd.s32 s1, s30  }
0xbb: {  	s0 =	sor.u32 s3, s0;
	s1 =	sshll.u32 s1, $0x11  }
0xbc: {  	s0 =	sor.u32 s1, s0  }
0xbd: {  	s0 =	sadd.s32 $0x8F2B, s0  }
0xbe: {  	[sflag:s0] =	ssyncadd.remote.s32 $0x1  }
0xbf: {  	_ =	sfence.sel $0xFFFF  }
0xc0: {  	[dreg:$0x0] =	wrdreg $0xFFFFFFFF;
	(pc) =	sbr.abs _section_cstart, $3  }
0xc1: {  	[dreg:$0x1] =	wrdreg $0xFFFFFFFF  }
0xc2: {  	_ =	task.clear_ibuf [dreg:s7], $0x2FFFF;
	_ =	strace $0x9FFFFFFF  }
0xc3: {  	(tm) =	ssettm $0x7FFFFFFF  }
tec
execute0_lowered:
.L_overlay_start_1:
0x0: {  	(tag) =	ssettag $0x1  }
0x1: {  	s5 =	rddreg [dreg:$0x0]  }
0x2: {  	s6 =	rddreg [dreg:$0x1]  }
0x3: {  	s0 =	srdreg.scid;
	s2 =	rddreg [dreg:$0x2];
	s3 =	simm.s32 $0x0  }
0x4: {  	s11 =	simm.s32 $0x80;
	s12 =	simm.s32 $0x2800;
	s13 =	simm.s32 $0x2  }
0x5: {  	s14 =	simm.s32 $0x0;
	s4 =	sand.u32 $0x1, s0;
	s0 =	stileid.u32  }
0x6: {  	[smem:$0x7FF] =	sst s3;
	s1 =	sshll.u32 s4, $0x4;
	s8 =	smul.u32 $0x280, s0  }
0x7: {  	s9 =	ssub.s32 $0x2, s4;
	s4 =	smul.u32 $0x2800, s4;
	s1 =	sor.u32 s0, s1  }
0x8: {  	s10 =	sshrl.u32 s9, $0x1;
	s7 =	smul.u32 $0x500, s1;
	s1 =	rddreg [dreg:$0x3]  }
0x9: {  	_ =	strace $0x80000047;
	s29 =	ssub.s32 s9, s10;
	s30 =	sadd.s32 s8, s4  }
0xa: {  	s9 =	simm.s32 $0x3;
	s10 =	simm.s32 $0x1;
	s31 =	sshrl.u32 s30, $0x3  }
0xb: {  	s5 =	sadd.s32 s7, s5;
	s6 =	sadd.s32 s6, s31;
	s7 =	smax.u32 s29, $0x1  }
0xc: {  	v0 =	vimm.f32 $0.0e+00;
	v1 =	vimm.f32 $1.000000000e+00;
	s4 =	sadd.s32 $0x1C00, s5;
	s5 =	sadd.s32 s8, s2;
	s8 =	simm.s32 $0x2880  }
.LBB2_1:
0xd: {  	[tilespmem:s3], [sflag:$0x1] =	stream.linear.gather [hbm4b:s4+s3], $0x2800, $0x38;
	[tilespmem:$0x2D80] =	vst v63  }
0xe: {  	[tilespmem:$0x2880] =	vst v0  }
0xf: {  	[tilespmem:$0x2890] =	vst v0  }
0x10: {  	[tilespmem:$0x28A0] =	vst v0  }
0x11: {  	[tilespmem:$0x28B0] =	vst v0  }
0x12: {  	[tilespmem:$0x28C0] =	vst v0  }
0x13: {  	[tilespmem:$0x28D0] =	vst v0  }
0x14: {  	[tilespmem:$0x28E0] =	vst v0  }
0x15: {  	[tilespmem:$0x28F0] =	vst v0  }
0x16: {  	[tilespmem:$0x2900] =	vst v0  }
0x17: {  	[tilespmem:$0x2910] =	vst v0  }
0x18: {  	[tilespmem:$0x2920] =	vst v0  }
0x19: {  	[tilespmem:$0x2930] =	vst v0  }
0x1a: {  	[tilespmem:$0x2940] =	vst v0  }
0x1b: {  	[tilespmem:$0x2950] =	vst v0  }
0x1c: {  	[tilespmem:$0x2960] =	vst v0  }
0x1d: {  	[tilespmem:$0x2970] =	vst v0  }
0x1e: {  	[tilespmem:$0x2980] =	vst v0  }
0x1f: {  	[tilespmem:$0x2990] =	vst v0  }
0x20: {  	[tilespmem:$0x29A0] =	vst v0  }
0x21: {  	[tilespmem:$0x29B0] =	vst v0  }
0x22: {  	[tilespmem:$0x29C0] =	vst v0  }
0x23: {  	[tilespmem:$0x29D0] =	vst v0  }
0x24: {  	[tilespmem:$0x29E0] =	vst v0  }
0x25: {  	[tilespmem:$0x29F0] =	vst v0  }
0x26: {  	[tilespmem:$0x2A00] =	vst v0  }
0x27: {  	[tilespmem:$0x2A10] =	vst v0  }
0x28: {  	[tilespmem:$0x2A20] =	vst v0  }
0x29: {  	[tilespmem:$0x2A30] =	vst v0  }
0x2a: {  	[tilespmem:$0x2A40] =	vst v0  }
0x2b: {  	[tilespmem:$0x2A50] =	vst v0  }
0x2c: {  	[tilespmem:$0x2A60] =	vst v0  }
0x2d: {  	[tilespmem:$0x2A70] =	vst v0  }
0x2e: {  	[tilespmem:$0x2A80] =	vst v0  }
0x2f: {  	[tilespmem:$0x2A90] =	vst v0  }
0x30: {  	[tilespmem:$0x2AA0] =	vst v0  }
0x31: {  	[tilespmem:$0x2AB0] =	vst v0  }
0x32: {  	[tilespmem:$0x2AC0] =	vst v0  }
0x33: {  	[tilespmem:$0x2AD0] =	vst v0  }
0x34: {  	[tilespmem:$0x2AE0] =	vst v0  }
0x35: {  	[tilespmem:$0x2AF0] =	vst v0  }
0x36: {  	[tilespmem:$0x2800] =	vst v1  }
0x37: {  	[tilespmem:$0x2810] =	vst v1  }
0x38: {  	[tilespmem:$0x2820] =	vst v1  }
0x39: {  	[tilespmem:$0x2830] =	vst v1  }
0x3a: {  	[tilespmem:$0x2840] =	vst v1  }
0x3b: {  	[tilespmem:$0x2850] =	vst v1  }
0x3c: {  	[tilespmem:$0x2860] =	vst v1  }
0x3d: {  	[tilespmem:$0x2870] =	vst v1  }
0x3e: {  	[spmem:s5] =	stream.linear.scatter [tilespmem:s8], [sflag:$0x3], $0x280, $0x38;
	[tilespmem:$0x2D80] =	vst v63  }
0x3f: {  	_ =	swait.ge [sflag:s9], $0x280  }
0x40: {  	[sflag:s9] =	ssyncset.done $0x0  }
0x41: {  	[sflag:s9] =	ssyncadd.s32 $0xFFFFFD80  }
0x42: {  	[bflag:$0x0] =	sbarrier.arrive $0xFFFF  }
0x43: {  	_ =	swait.ge [sflag:s10], $0x2800  }
0x44: {  	[sflag:s10] =	ssyncset.done $0x0  }
0x45: {  	s15 =	simm.s32 $0x0;
	[sflag:s10] =	ssyncadd.s32 $0xFFFFD800  }
0x46: {  	[spmem:s2] =	stream.indirect.scatter.add.f32 [tilespmem:s12], [sflag:$0x2], $0x1, s15, s11, $0xb8;
	[tilespmem:$0x2D80] =	vst v63  }
0x47: {  	s16 =	simm.s32 $0x80  }
0x48: {  	[spmem:s2] =	stream.indirect.scatter.add.f32 [tilespmem:s12], [sflag:$0x2], $0x1, s16, s11, $0xb8;
	[tilespmem:$0x2D80] =	vst v63  }
0x49: {  	s17 =	simm.s32 $0x100  }
0x4a: {  	[spmem:s2] =	stream.indirect.scatter.add.f32 [tilespmem:s12], [sflag:$0x2], $0x1, s17, s11, $0xb8;
	[tilespmem:$0x2D80] =	vst v63  }
0x4b: {  	s18 =	simm.s32 $0x180  }
0x4c: {  	[spmem:s2] =	stream.indirect.scatter.add.f32 [tilespmem:s12], [sflag:$0x2], $0x1, s18, s11, $0xb8;
	[tilespmem:$0x2D80] =	vst v63  }
0x4d: {  	s19 =	simm.s32 $0x200  }
0x4e: {  	[spmem:s2] =	stream.indirect.scatter.add.f32 [tilespmem:s12], [sflag:$0x2], $0x1, s19, s11, $0xb8;
	[tilespmem:$0x2D80] =	vst v63  }
0x4f: {  	s20 =	simm.s32 $0x280  }
0x50: {  	[spmem:s2] =	stream.indirect.scatter.add.f32 [tilespmem:s12], [sflag:$0x2], $0x1, s20, s11, $0xb8;
	[tilespmem:$0x2D80] =	vst v63  }
0x51: {  	s21 =	simm.s32 $0x300  }
0x52: {  	[spmem:s2] =	stream.indirect.scatter.add.f32 [tilespmem:s12], [sflag:$0x2], $0x1, s21, s11, $0xb8;
	[tilespmem:$0x2D80] =	vst v63  }
0x53: {  	s22 =	simm.s32 $0x380  }
0x54: {  	[spmem:s2] =	stream.indirect.scatter.add.f32 [tilespmem:s12], [sflag:$0x2], $0x1, s22, s11, $0xb8;
	[tilespmem:$0x2D80] =	vst v63  }
0x55: {  	s23 =	simm.s32 $0x400  }
0x56: {  	[spmem:s2] =	stream.indirect.scatter.add.f32 [tilespmem:s12], [sflag:$0x2], $0x1, s23, s11, $0xb8;
	[tilespmem:$0x2D80] =	vst v63  }
0x57: {  	s24 =	simm.s32 $0x480  }
0x58: {  	[spmem:s2] =	stream.indirect.scatter.add.f32 [tilespmem:s12], [sflag:$0x2], $0x1, s24, s11, $0xb8;
	[tilespmem:$0x2D80] =	vst v63  }
0x59: {  	s25 =	simm.s32 $0x500  }
0x5a: {  	[spmem:s2] =	stream.indirect.scatter.add.f32 [tilespmem:s12], [sflag:$0x2], $0x1, s25, s11, $0xb8;
	[tilespmem:$0x2D80] =	vst v63  }
0x5b: {  	s26 =	simm.s32 $0x580  }
0x5c: {  	[spmem:s2] =	stream.indirect.scatter.add.f32 [tilespmem:s12], [sflag:$0x2], $0x1, s26, s11, $0xb8;
	[tilespmem:$0x2D80] =	vst v63  }
0x5d: {  	s28 =	simm.s32 $0x600  }
0x5e: {  	[spmem:s2] =	stream.indirect.scatter.add.f32 [tilespmem:s12], [sflag:$0x2], $0x1, s28, s11, $0xb8;
	[tilespmem:$0x2D80] =	vst v63  }
0x5f: {  	s29 =	simm.s32 $0x680  }
0x60: {  	[spmem:s2] =	stream.indirect.scatter.add.f32 [tilespmem:s12], [sflag:$0x2], $0x1, s29, s11, $0xb8;
	[tilespmem:$0x2D80] =	vst v63  }
0x61: {  	s30 =	simm.s32 $0x700  }
0x62: {  	[spmem:s2] =	stream.indirect.scatter.add.f32 [tilespmem:s12], [sflag:$0x2], $0x1, s30, s11, $0xb8;
	[tilespmem:$0x2D80] =	vst v63  }
0x63: {  	s31 =	simm.s32 $0x780  }
0x64: {  	[spmem:s2] =	stream.indirect.scatter.add.f32 [tilespmem:s12], [sflag:$0x2], $0x1, s31, s11, $0xb8;
	[tilespmem:$0x2D80] =	vst v63  }
0x65: {  	_ =	swait.ge [sflag:s13], $0x80  }
0x66: {  	[sflag:s13] =	ssyncset.done $0x0  }
0x67: {  	[sflag:s13] =	ssyncadd.s32 $0xFFFFFF80  }
0x68: {  	_ =	swait.ge [sflag:s13], $0x80  }
0x69: {  	[sflag:s13] =	ssyncset.done $0x0  }
0x6a: {  	[sflag:s13] =	ssyncadd.s32 $0xFFFFFF80  }
0x6b: {  	_ =	swait.ge [sflag:s13], $0x80  }
0x6c: {  	[sflag:s13] =	ssyncset.done $0x0  }
0x6d: {  	[sflag:s13] =	ssyncadd.s32 $0xFFFFFF80  }
0x6e: {  	_ =	swait.ge [sflag:s13], $0x80  }
0x6f: {  	[sflag:s13] =	ssyncset.done $0x0  }
0x70: {  	[sflag:s13] =	ssyncadd.s32 $0xFFFFFF80  }
0x71: {  	_ =	swait.ge [sflag:s13], $0x80  }
0x72: {  	[sflag:s13] =	ssyncset.done $0x0  }
0x73: {  	[sflag:s13] =	ssyncadd.s32 $0xFFFFFF80  }
0x74: {  	_ =	swait.ge [sflag:s13], $0x80  }
0x75: {  	[sflag:s13] =	ssyncset.done $0x0  }
0x76: {  	[sflag:s13] =	ssyncadd.s32 $0xFFFFFF80  }
0x77: {  	_ =	swait.ge [sflag:s13], $0x80  }
0x78: {  	[sflag:s13] =	ssyncset.done $0x0  }
0x79: {  	[sflag:s13] =	ssyncadd.s32 $0xFFFFFF80  }
0x7a: {  	_ =	swait.ge [sflag:s13], $0x80  }
0x7b: {  	[sflag:s13] =	ssyncset.done $0x0  }
0x7c: {  	[sflag:s13] =	ssyncadd.s32 $0xFFFFFF80  }
0x7d: {  	_ =	swait.ge [sflag:s13], $0x80  }
0x7e: {  	[sflag:s13] =	ssyncset.done $0x0  }
0x7f: {  	[sflag:s13] =	ssyncadd.s32 $0xFFFFFF80  }
0x80: {  	_ =	swait.ge [sflag:s13], $0x80  }
0x81: {  	[sflag:s13] =	ssyncset.done $0x0  }
0x82: {  	[sflag:s13] =	ssyncadd.s32 $0xFFFFFF80  }
0x83: {  	_ =	swait.ge [sflag:s13], $0x80  }
0x84: {  	[sflag:s13] =	ssyncset.done $0x0  }
0x85: {  	[sflag:s13] =	ssyncadd.s32 $0xFFFFFF80  }
0x86: {  	_ =	swait.ge [sflag:s13], $0x80  }
0x87: {  	[sflag:s13] =	ssyncset.done $0x0  }
0x88: {  	[sflag:s13] =	ssyncadd.s32 $0xFFFFFF80  }
0x89: {  	_ =	swait.ge [sflag:s13], $0x80  }
0x8a: {  	[sflag:s13] =	ssyncset.done $0x0  }
0x8b: {  	[sflag:s13] =	ssyncadd.s32 $0xFFFFFF80  }
0x8c: {  	_ =	swait.ge [sflag:s13], $0x80  }
0x8d: {  	[sflag:s13] =	ssyncset.done $0x0  }
0x8e: {  	[sflag:s13] =	ssyncadd.s32 $0xFFFFFF80  }
0x8f: {  	_ =	swait.ge [sflag:s13], $0x80  }
0x90: {  	[sflag:s13] =	ssyncset.done $0x0  }
0x91: {  	[sflag:s13] =	ssyncadd.s32 $0xFFFFFF80  }
0x92: {  	_ =	swait.ge [sflag:s13], $0x80  }
0x93: {  	s15 =	simm.s32 $0x2000;
	s18 =	simm.s32 $0x4000;
	[sflag:s13] =	ssyncset.done $0x0  }
.LBB2_2:
0x94: {  	s17 =	sshra.s32 s15, $0x2  }
0x95: {  	[sflag:s13] =	ssyncadd.s32 $0xFFFFFF80;
	s15 =	smov.u32 s18;
	s16 =	sadd.s32 $0x2000, s18  }
0x96: {  	[spmem:s2] =	stream.indirect.scatter.add.f32 [tilespmem:s12], [sflag:$0x2], $0x1, s17, s11, $0xb8;
	[tilespmem:$0x2D80] =	vst v63  }
0x97: {  	p0 =	sne.s32 s18, $0x8000;
	s18 =	sadd.s32 $0x80, s17  }
0x98: {  	[spmem:s2] =	stream.indirect.scatter.add.f32 [tilespmem:s12], [sflag:$0x2], $0x1, s18, s11, $0xb8;
	[tilespmem:$0x2D80] =	vst v63  }
0x99: {  	s18 =	sadd.s32 $0x100, s17  }
0x9a: {  	[spmem:s2] =	stream.indirect.scatter.add.f32 [tilespmem:s12], [sflag:$0x2], $0x1, s18, s11, $0xb8;
	[tilespmem:$0x2D80] =	vst v63  }
0x9b: {  	s18 =	sadd.s32 $0x180, s17  }
0x9c: {  	[spmem:s2] =	stream.indirect.scatter.add.f32 [tilespmem:s12], [sflag:$0x2], $0x1, s18, s11, $0xb8;
	[tilespmem:$0x2D80] =	vst v63  }
0x9d: {  	s18 =	sadd.s32 $0x200, s17  }
0x9e: {  	[spmem:s2] =	stream.indirect.scatter.add.f32 [tilespmem:s12], [sflag:$0x2], $0x1, s18, s11, $0xb8;
	[tilespmem:$0x2D80] =	vst v63  }
0x9f: {  	s18 =	sadd.s32 $0x280, s17  }
0xa0: {  	[spmem:s2] =	stream.indirect.scatter.add.f32 [tilespmem:s12], [sflag:$0x2], $0x1, s18, s11, $0xb8;
	[tilespmem:$0x2D80] =	vst v63  }
0xa1: {  	s18 =	sadd.s32 $0x300, s17  }
0xa2: {  	[spmem:s2] =	stream.indirect.scatter.add.f32 [tilespmem:s12], [sflag:$0x2], $0x1, s18, s11, $0xb8;
	[tilespmem:$0x2D80] =	vst v63  }
0xa3: {  	s18 =	sadd.s32 $0x380, s17  }
0xa4: {  	[spmem:s2] =	stream.indirect.scatter.add.f32 [tilespmem:s12], [sflag:$0x2], $0x1, s18, s11, $0xb8;
	[tilespmem:$0x2D80] =	vst v63  }
0xa5: {  	s18 =	sadd.s32 $0x400, s17  }
0xa6: {  	[spmem:s2] =	stream.indirect.scatter.add.f32 [tilespmem:s12], [sflag:$0x2], $0x1, s18, s11, $0xb8;
	[tilespmem:$0x2D80] =	vst v63  }
0xa7: {  	s18 =	sadd.s32 $0x480, s17  }
0xa8: {  	[spmem:s2] =	stream.indirect.scatter.add.f32 [tilespmem:s12], [sflag:$0x2], $0x1, s18, s11, $0xb8;
	[tilespmem:$0x2D80] =	vst v63  }
0xa9: {  	s18 =	sadd.s32 $0x500, s17  }
0xaa: {  	[spmem:s2] =	stream.indirect.scatter.add.f32 [tilespmem:s12], [sflag:$0x2], $0x1, s18, s11, $0xb8;
	[tilespmem:$0x2D80] =	vst v63  }
0xab: {  	s18 =	sadd.s32 $0x580, s17  }
0xac: {  	[spmem:s2] =	stream.indirect.scatter.add.f32 [tilespmem:s12], [sflag:$0x2], $0x1, s18, s11, $0xb8;
	[tilespmem:$0x2D80] =	vst v63  }
0xad: {  	s18 =	sadd.s32 $0x600, s17  }
0xae: {  	[spmem:s2] =	stream.indirect.scatter.add.f32 [tilespmem:s12], [sflag:$0x2], $0x1, s18, s11, $0xb8;
	[tilespmem:$0x2D80] =	vst v63  }
0xaf: {  	s18 =	sadd.s32 $0x680, s17  }
0xb0: {  	[spmem:s2] =	stream.indirect.scatter.add.f32 [tilespmem:s12], [sflag:$0x2], $0x1, s18, s11, $0xb8;
	[tilespmem:$0x2D80] =	vst v63  }
0xb1: {  	s18 =	sadd.s32 $0x700, s17  }
0xb2: {  	[spmem:s2] =	stream.indirect.scatter.add.f32 [tilespmem:s12], [sflag:$0x2], $0x1, s18, s11, $0xb8;
	[tilespmem:$0x2D80] =	vst v63  }
0xb3: {  	s17 =	sadd.s32 $0x780, s17  }
0xb4: {  	[spmem:s2] =	stream.indirect.scatter.add.f32 [tilespmem:s12], [sflag:$0x2], $0x1, s17, s11, $0xb8;
	[tilespmem:$0x2D80] =	vst v63  }
0xb5: {  	_ =	swait.ge [sflag:s13], $0x80  }
0xb6: {  	[sflag:s13] =	ssyncset.done $0x0  }
0xb7: {  	[sflag:s13] =	ssyncadd.s32 $0xFFFFFF80  }
0xb8: {  	_ =	swait.ge [sflag:s13], $0x80  }
0xb9: {  	[sflag:s13] =	ssyncset.done $0x0  }
0xba: {  	[sflag:s13] =	ssyncadd.s32 $0xFFFFFF80  }
0xbb: {  	_ =	swait.ge [sflag:s13], $0x80  }
0xbc: {  	[sflag:s13] =	ssyncset.done $0x0  }
0xbd: {  	[sflag:s13] =	ssyncadd.s32 $0xFFFFFF80  }
0xbe: {  	_ =	swait.ge [sflag:s13], $0x80  }
0xbf: {  	[sflag:s13] =	ssyncset.done $0x0  }
0xc0: {  	[sflag:s13] =	ssyncadd.s32 $0xFFFFFF80  }
0xc1: {  	_ =	swait.ge [sflag:s13], $0x80  }
0xc2: {  	[sflag:s13] =	ssyncset.done $0x0  }
0xc3: {  	[sflag:s13] =	ssyncadd.s32 $0xFFFFFF80  }
0xc4: {  	_ =	swait.ge [sflag:s13], $0x80  }
0xc5: {  	[sflag:s13] =	ssyncset.done $0x0  }
0xc6: {  	[sflag:s13] =	ssyncadd.s32 $0xFFFFFF80  }
0xc7: {  	_ =	swait.ge [sflag:s13], $0x80  }
0xc8: {  	[sflag:s13] =	ssyncset.done $0x0  }
0xc9: {  	[sflag:s13] =	ssyncadd.s32 $0xFFFFFF80  }
0xca: {  	_ =	swait.ge [sflag:s13], $0x80  }
0xcb: {  	[sflag:s13] =	ssyncset.done $0x0  }
0xcc: {  	[sflag:s13] =	ssyncadd.s32 $0xFFFFFF80  }
0xcd: {  	_ =	swait.ge [sflag:s13], $0x80  }
0xce: {  	[sflag:s13] =	ssyncset.done $0x0  }
0xcf: {  	[sflag:s13] =	ssyncadd.s32 $0xFFFFFF80  }
0xd0: {  	_ =	swait.ge [sflag:s13], $0x80  }
0xd1: {  	[sflag:s13] =	ssyncset.done $0x0  }
0xd2: {  	[sflag:s13] =	ssyncadd.s32 $0xFFFFFF80  }
0xd3: {  	_ =	swait.ge [sflag:s13], $0x80  }
0xd4: {  	[sflag:s13] =	ssyncset.done $0x0  }
0xd5: {  	[sflag:s13] =	ssyncadd.s32 $0xFFFFFF80  }
0xd6: {  	_ =	swait.ge [sflag:s13], $0x80  }
0xd7: {  	[sflag:s13] =	ssyncset.done $0x0  }
0xd8: {  	[sflag:s13] =	ssyncadd.s32 $0xFFFFFF80  }
0xd9: {  	_ =	swait.ge [sflag:s13], $0x80  }
0xda: {  	[sflag:s13] =	ssyncset.done $0x0  }
0xdb: {  	[sflag:s13] =	ssyncadd.s32 $0xFFFFFF80  }
0xdc: {  	_ =	swait.ge [sflag:s13], $0x80  }
0xdd: {  	[sflag:s13] =	ssyncset.done $0x0  }
0xde: {  	[sflag:s13] =	ssyncadd.s32 $0xFFFFFF80  }
.Ltmp0:
0xdf: {  	_ =	swait.ge [sflag:s13], $0x80;
	(pc) =	sbr.rel @p0 .LBB2_2-.Ltmp0, $4  }
0xe0: {  	[sflag:s13] =	ssyncset.done $0x0  }
0xe1: {  	[sflag:s13] =	ssyncadd.s32 $0xFFFFFF80  }
0xe2: {  	_ =	swait.ge [sflag:s13], $0x80  }
0xe3: {  	s18 =	smov.u32 s16;
	[sflag:s13] =	ssyncset.done $0x0  }
0xe4: {  	s15 =	sshra.s32 s15, $0x2;
	[sflag:s13] =	ssyncadd.s32 $0xFFFFFF80  }
0xe5: {  	[spmem:s2] =	stream.indirect.scatter.add.f32 [tilespmem:s12], [sflag:$0x2], $0x1, s15, s11, $0xb8;
	[tilespmem:$0x2D80] =	vst v63  }
0xe6: {  	s16 =	sadd.s32 $0x80, s15  }
0xe7: {  	[spmem:s2] =	stream.indirect.scatter.add.f32 [tilespmem:s12], [sflag:$0x2], $0x1, s16, s11, $0xb8;
	[tilespmem:$0x2D80] =	vst v63  }
0xe8: {  	s18 =	sadd.s32 $0x100, s15  }
0xe9: {  	[spmem:s2] =	stream.indirect.scatter.add.f32 [tilespmem:s12], [sflag:$0x2], $0x1, s18, s11, $0xb8;
	[tilespmem:$0x2D80] =	vst v63  }
0xea: {  	s19 =	sadd.s32 $0x180, s15  }
0xeb: {  	[spmem:s2] =	stream.indirect.scatter.add.f32 [tilespmem:s12], [sflag:$0x2], $0x1, s19, s11, $0xb8;
	[tilespmem:$0x2D80] =	vst v63  }
0xec: {  	s20 =	sadd.s32 $0x200, s15  }
0xed: {  	[spmem:s2] =	stream.indirect.scatter.add.f32 [tilespmem:s12], [sflag:$0x2], $0x1, s20, s11, $0xb8;
	[tilespmem:$0x2D80] =	vst v63  }
0xee: {  	s21 =	sadd.s32 $0x280, s15  }
0xef: {  	[spmem:s2] =	stream.indirect.scatter.add.f32 [tilespmem:s12], [sflag:$0x2], $0x1, s21, s11, $0xb8;
	[tilespmem:$0x2D80] =	vst v63  }
0xf0: {  	s22 =	sadd.s32 $0x300, s15  }
0xf1: {  	[spmem:s2] =	stream.indirect.scatter.add.f32 [tilespmem:s12], [sflag:$0x2], $0x1, s22, s11, $0xb8;
	[tilespmem:$0x2D80] =	vst v63  }
0xf2: {  	s23 =	sadd.s32 $0x380, s15  }
0xf3: {  	[spmem:s2] =	stream.indirect.scatter.add.f32 [tilespmem:s12], [sflag:$0x2], $0x1, s23, s11, $0xb8;
	[tilespmem:$0x2D80] =	vst v63  }
0xf4: {  	s24 =	sadd.s32 $0x400, s15  }
0xf5: {  	[spmem:s2] =	stream.indirect.scatter.add.f32 [tilespmem:s12], [sflag:$0x2], $0x1, s24, s11, $0xb8;
	[tilespmem:$0x2D80] =	vst v63  }
0xf6: {  	s25 =	sadd.s32 $0x480, s15  }
0xf7: {  	[spmem:s2] =	stream.indirect.scatter.add.f32 [tilespmem:s12], [sflag:$0x2], $0x1, s25, s11, $0xb8;
	[tilespmem:$0x2D80] =	vst v63  }
0xf8: {  	s26 =	sadd.s32 $0x500, s15  }
0xf9: {  	[spmem:s2] =	stream.indirect.scatter.add.f32 [tilespmem:s12], [sflag:$0x2], $0x1, s26, s11, $0xb8;
	[tilespmem:$0x2D80] =	vst v63  }
0xfa: {  	s28 =	sadd.s32 $0x580, s15  }
0xfb: {  	[spmem:s2] =	stream.indirect.scatter.add.f32 [tilespmem:s12], [sflag:$0x2], $0x1, s28, s11, $0xb8;
	[tilespmem:$0x2D80] =	vst v63  }
0xfc: {  	s29 =	sadd.s32 $0x600, s15  }
0xfd: {  	[spmem:s2] =	stream.indirect.scatter.add.f32 [tilespmem:s12], [sflag:$0x2], $0x1, s29, s11, $0xb8;
	[tilespmem:$0x2D80] =	vst v63  }
0xfe: {  	s30 =	sadd.s32 $0x680, s15  }
0xff: {  	[spmem:s2] =	stream.indirect.scatter.add.f32 [tilespmem:s12], [sflag:$0x2], $0x1, s30, s11, $0xb8;
	[tilespmem:$0x2D80] =	vst v63  }
0x100: {  	s31 =	sadd.s32 $0x700, s15  }
0x101: {  	[spmem:s2] =	stream.indirect.scatter.add.f32 [tilespmem:s12], [sflag:$0x2], $0x1, s31, s11, $0xb8;
	[tilespmem:$0x2D80] =	vst v63  }
0x102: {  	s15 =	sadd.s32 $0x780, s15  }
0x103: {  	[spmem:s2] =	stream.indirect.scatter.add.f32 [tilespmem:s12], [sflag:$0x2], $0x1, s15, s11, $0xb8;
	[tilespmem:$0x2D80] =	vst v63  }
0x104: {  	_ =	swait.ge [sflag:s13], $0x80  }
0x105: {  	[sflag:s13] =	ssyncset.done $0x0  }
0x106: {  	[sflag:s13] =	ssyncadd.s32 $0xFFFFFF80  }
0x107: {  	_ =	swait.ge [sflag:s13], $0x80  }
0x108: {  	[sflag:s13] =	ssyncset.done $0x0  }
0x109: {  	[sflag:s13] =	ssyncadd.s32 $0xFFFFFF80  }
0x10a: {  	_ =	swait.ge [sflag:s13], $0x80  }
0x10b: {  	[sflag:s13] =	ssyncset.done $0x0  }
0x10c: {  	[sflag:s13] =	ssyncadd.s32 $0xFFFFFF80  }
0x10d: {  	_ =	swait.ge [sflag:s13], $0x80  }
0x10e: {  	[sflag:s13] =	ssyncset.done $0x0  }
0x10f: {  	[sflag:s13] =	ssyncadd.s32 $0xFFFFFF80  }
0x110: {  	_ =	swait.ge [sflag:s13], $0x80  }
0x111: {  	[sflag:s13] =	ssyncset.done $0x0  }
0x112: {  	[sflag:s13] =	ssyncadd.s32 $0xFFFFFF80  }
0x113: {  	_ =	swait.ge [sflag:s13], $0x80  }
0x114: {  	[sflag:s13] =	ssyncset.done $0x0  }
0x115: {  	[sflag:s13] =	ssyncadd.s32 $0xFFFFFF80  }
0x116: {  	_ =	swait.ge [sflag:s13], $0x80  }
0x117: {  	[sflag:s13] =	ssyncset.done $0x0  }
0x118: {  	[sflag:s13] =	ssyncadd.s32 $0xFFFFFF80  }
0x119: {  	_ =	swait.ge [sflag:s13], $0x80  }
0x11a: {  	[sflag:s13] =	ssyncset.done $0x0  }
0x11b: {  	[sflag:s13] =	ssyncadd.s32 $0xFFFFFF80  }
0x11c: {  	_ =	swait.ge [sflag:s13], $0x80  }
0x11d: {  	[sflag:s13] =	ssyncset.done $0x0  }
0x11e: {  	[sflag:s13] =	ssyncadd.s32 $0xFFFFFF80  }
0x11f: {  	_ =	swait.ge [sflag:s13], $0x80  }
0x120: {  	[sflag:s13] =	ssyncset.done $0x0  }
0x121: {  	[sflag:s13] =	ssyncadd.s32 $0xFFFFFF80  }
0x122: {  	_ =	swait.ge [sflag:s13], $0x80  }
0x123: {  	[sflag:s13] =	ssyncset.done $0x0  }
0x124: {  	[sflag:s13] =	ssyncadd.s32 $0xFFFFFF80  }
0x125: {  	_ =	swait.ge [sflag:s13], $0x80  }
0x126: {  	[sflag:s13] =	ssyncset.done $0x0  }
0x127: {  	[sflag:s13] =	ssyncadd.s32 $0xFFFFFF80  }
0x128: {  	_ =	swait.ge [sflag:s13], $0x80  }
0x129: {  	[sflag:s13] =	ssyncset.done $0x0  }
0x12a: {  	[sflag:s13] =	ssyncadd.s32 $0xFFFFFF80  }
0x12b: {  	_ =	swait.ge [sflag:s13], $0x80  }
0x12c: {  	[sflag:s13] =	ssyncset.done $0x0  }
0x12d: {  	[sflag:s13] =	ssyncadd.s32 $0xFFFFFF80  }
0x12e: {  	_ =	swait.ge [sflag:s13], $0x80  }
0x12f: {  	[sflag:s13] =	ssyncset.done $0x0  }
0x130: {  	[sflag:s13] =	ssyncadd.s32 $0xFFFFFF80  }
0x131: {  	_ =	swait.ge [sflag:s13], $0x80  }
0x132: {  	[sflag:s13] =	ssyncset.done $0x0  }
0x133: {  	[sflag:s13] =	ssyncadd.s32 $0xFFFFFF80  }
0x134: {  	[bflag:$0x0] =	sbarrier.arrive $0xFFFF  }
0x135: {  	[tilespmem:s8], [sflag:$0x3] =	stream.linear.gather [spmem:s5], $0x280, $0x38;
	[tilespmem:$0x2D80] =	vst v63  }
0x136: {  	s14 =	sadd.s32 $0x1, s14;
	_ =	swait.ge [sflag:s9], $0x280  }
0x137: {  	p0 =	sne.s32 s14, s7;
	[sflag:s9] =	ssyncset.done $0x0  }
.Ltmp1:
0x138: {  	[sflag:s9] =	ssyncadd.s32 $0xFFFFFD80;
	(pc) =	sbr.rel @p0 .LBB2_1-.Ltmp1, $4  }
0x139: {  	[hbm4b:s6+s3] =	stream.linear.scatter [tilespmem:s8], [sflag:$0x3], $0x280, $0x38;
	[tilespmem:$0x2D80] =	vst v63  }
0x13a: {  	_ =	swait.ge [sflag:s9], $0x280  }
0x13b: {  	[sflag:s9] =	ssyncset.done $0x0  }
0x13c: {  	[sflag:s9] =	ssyncadd.s32 $0xFFFFFD80  }
0x13d: {  	_ =	sfence.sel $0x180000  }
0x13e: {  	[bflag:$0x0] =	sbarrier.arrive $0xFFFF  }
0x13f: {  	p0 =	sne.s32 s0, $0x0;
	_ =	strace $0x90000047  }
0x140: {  	s0 =	sadd.s32 @!p0 $0x100000, s1;
	[bflag:$0x2] =	sbarrier.arrive $0xFFFF  }
0x141: {  	[sflag:s0] =	ssyncadd.tile.s32 @!p0 $0x1;
	_ =	shalt  }
.Lfunc_end2:
_tile_overlayer_lowered:
.L_overlay_start_2:
0x142: {  	(tag) =	ssettag $0x2  }
0x143: {  	s0 =	rddreg [dreg:$0x0];
	s2 =	stileid.u32  }
0x144: {  	s1 =	rddreg [dreg:$0x1];
	p0 =	sne.s32 s2, $0x0  }
0x145: {  	s3 =	rddreg [dreg:$0x2];
	[bflag:$0x3] =	sbarrier.arrive $0xFFFF;
	s2 =	simm.s32 @!p0 $0x1C03  }
0x146: {  	[timem:s3], [sflag:s2] =	dma.local @!p0 [hbm:s0], s1  }
0x147: {  	s0 =	simm.s32 @!p0 $0x3  }
0x148: {  	_ =	swait.ge @!p0 [sflag:s0], s1  }
0x149: {  	s1 =	ssub.s32 @!p0 $0x0, s1;
	[sflag:s0] =	ssyncset.done @!p0 $0x0  }
0x14a: {  	[sflag:s0] =	ssyncadd.s32 @!p0 s1  }
0x14b: {  	[bflag:$0x3] =	sbarrier.arrive $0xFFFF  }
0x14c: {  	_ =	shalt  }

</sc_bundles>
